<compile_context>
chip_gen: v7x
topology: tpu7x:2x2x1
jax: 0.10.2.dev20260603
libtpu: 0.0.44.dev20260713+nightly
codegen_flags: <defaults>
</compile_context>

<pallas_src>
import functools

import jax
import jax.numpy as jnp
from jax import lax
from jax.experimental import pallas as pl
from jax.experimental.pallas import tpu as pltpu
from jax.experimental.pallas import tpu_sc as plsc

N_TOTAL = 16 * 1 * 512 * 512
NC, NS, L = 2, 16, 16
NW = NC * NS
P = N_TOTAL // NW
CH = 8192
NCH = P // CH
NBUF = 2

NBIN = 20480
EXP_LO = 117
TWO_B = 2 * NBIN

BCE_W = 0.8 * 0.5
LOV_W = 0.2 * 1.0


def _sc_stage(x_hbm, t_hbm, cnt_out, sm_out, xbuf, tbuf, cnt_v, sm_v, sems):
    wid = lax.axis_index("s") * NC + lax.axis_index("c")
    base = wid * P

    for b in range(NBUF):
        off = base + b * CH
        pltpu.async_copy(x_hbm.at[pl.ds(off, CH)], xbuf.at[b], sems.at[b])
        pltpu.async_copy(t_hbm.at[pl.ds(off, CH)], tbuf.at[b], sems.at[b])

    zeros = jnp.zeros((L,), jnp.float32)

    @plsc.parallel_loop(0, TWO_B, L, unroll=8)
    def _(i):
        cnt_v[pl.ds(i, L)] = zeros
        sm_v[pl.ds(i, L)] = zeros

    ones = jnp.ones((L,), jnp.float32)

    def process_chunk(b):
        @plsc.parallel_loop(0, CH, L, unroll=8)
        def _(i):
            x = xbuf[b, pl.ds(i, L)]
            t = tbuf[b, pl.ds(i, L)]
            is_pos = t == 0.0
            e = 1.0 - x * jnp.where(is_pos, 1.0, -1.0)
            relu_e = jnp.maximum(e, 0.0)
            bits = lax.bitcast_convert_type(e, jnp.int32)
            key = jnp.clip((bits >> 13) - (EXP_LO * 1024), 0, NBIN - 1)
            key = key + jnp.where(is_pos, NBIN, 0)
            valid = (e > 0.0) | is_pos
            plsc.addupdate_scatter(cnt_v, [key], ones, mask=valid)
            plsc.addupdate_scatter(sm_v, [key], relu_e, mask=valid)

    def pair_body(g, carry):
        for b in range(NBUF):
            ci = g * NBUF + b
            pltpu.make_async_copy(x_hbm.at[pl.ds(0, CH)], xbuf.at[b],
                                  sems.at[b]).wait()
            pltpu.make_async_copy(t_hbm.at[pl.ds(0, CH)], tbuf.at[b],
                                  sems.at[b]).wait()
            process_chunk(b)

            @pl.when(ci + NBUF < NCH)
            def _():
                off = base + (ci + NBUF) * CH
                pltpu.async_copy(x_hbm.at[pl.ds(off, CH)], xbuf.at[b],
                                 sems.at[b])
                pltpu.async_copy(t_hbm.at[pl.ds(off, CH)], tbuf.at[b],
                                 sems.at[b])
        return carry

    lax.fori_loop(0, NCH // NBUF, pair_body, 0)

    pltpu.sync_copy(cnt_v, cnt_out.at[wid])
    pltpu.sync_copy(sm_v, sm_out.at[wid])


_sc_histogram = functools.partial(
    pl.kernel,
    out_type=(
        jax.ShapeDtypeStruct((NW, TWO_B), jnp.float32),
        jax.ShapeDtypeStruct((NW, TWO_B), jnp.float32),
    ),
    mesh=plsc.VectorSubcoreMesh(core_axis_name="c", subcore_axis_name="s",
                                num_cores=NC, num_subcores=NS),
    compiler_params=pltpu.CompilerParams(needs_layout_passes=False),
    scratch_types=[
        pltpu.VMEM((NBUF, CH), jnp.float32),
        pltpu.VMEM((NBUF, CH), jnp.float32),
        pltpu.VMEM((TWO_B,), jnp.float32),
        pltpu.VMEM((TWO_B,), jnp.float32),
        pltpu.SemaphoreType.DMA((NBUF,)),
    ],
)(_sc_stage)


BCE_GRID = 8
BCE_ROWS = (N_TOTAL // 512) // BCE_GRID


def _tc_bce(x_ref, t_ref, out_ref):
    x = x_ref[...]
    t = t_ref[...]
    bce = jnp.maximum(x, 0.0) - x * t + jnp.log1p(jnp.exp(-jnp.abs(x)))
    part = jnp.sum(bce)

    @pl.when(pl.program_id(0) == 0)
    def _():
        out_ref[...] = jnp.zeros_like(out_ref)

    out_ref[...] += part[None, None]


ROWS = NBIN // 128


def _tc_combine(cnt_ref, sm_ref, bce_ref, out_ref):
    cnt = jnp.sum(cnt_ref[...], axis=0)
    sm = jnp.sum(sm_ref[...], axis=0)
    ncnt, pcnt = cnt[:ROWS], cnt[ROWS:]
    nsum, psum = sm[:ROWS], sm[ROWS:]

    ii = lax.broadcasted_iota(jnp.int32, (128, 128), 0)
    jj = lax.broadcasted_iota(jnp.int32, (128, 128), 1)
    tri_incl = (ii <= jj).astype(jnp.float32)
    i2 = lax.broadcasted_iota(jnp.int32, (ROWS, ROWS), 0)
    j2 = lax.broadcasted_iota(jnp.int32, (ROWS, ROWS), 1)
    tri_strict = (j2 < i2).astype(jnp.float32)

    def incl_cumsum(v):
        rowcum = jnp.dot(v, tri_incl, preferred_element_type=jnp.float32,
                         precision=lax.Precision.HIGHEST)
        rowpref = jnp.dot(tri_strict, rowcum[:, 127:128],
                          preferred_element_type=jnp.float32,
                          precision=lax.Precision.HIGHEST)
        return rowcum + rowpref

    s_n = jnp.sum(ncnt) - incl_cumsum(ncnt)
    s_p = jnp.sum(pcnt) - incl_cumsum(pcnt)

    kk = jnp.sum(pcnt)
    bce_mean = bce_ref[0, 0] / N_TOTAL
    emax = jnp.max(jnp.where(ncnt > 0.0, nsum / jnp.maximum(ncnt, 1.0),
                             -jnp.inf))

    pos_total = jnp.sum(psum / (kk + s_n))
    neg_total = jnp.sum(nsum * (kk - s_p - pcnt) /
                        ((kk + s_n) * (kk + s_n + ncnt)))
    lovasz = jnp.where(kk == 0.0, jnp.maximum(emax, 0.0),
                       pos_total + neg_total)
    out_ref[...] = (BCE_W * bce_mean + LOV_W * lovasz)[None, None]


def kernel(inputs, targets):
    x = inputs.reshape(N_TOTAL)
    t = targets.reshape(N_TOTAL)
    bce = pl.pallas_call(
        _tc_bce,
        grid=(BCE_GRID,),
        in_specs=[
            pl.BlockSpec((BCE_ROWS, 512), lambda i: (i, 0)),
            pl.BlockSpec((BCE_ROWS, 512), lambda i: (i, 0)),
        ],
        out_specs=pl.BlockSpec((1, 1), lambda i: (0, 0)),
        out_shape=jax.ShapeDtypeStruct((1, 1), jnp.float32),
    )(inputs.reshape(N_TOTAL // 512, 512), targets.reshape(N_TOTAL // 512, 512))
    cnt, sm = _sc_histogram(x, t)
    out = pl.pallas_call(
        _tc_combine,
        out_shape=jax.ShapeDtypeStruct((1, 1), jnp.float32),
    )(cnt.reshape(NW, 2 * ROWS, 128), sm.reshape(NW, 2 * ROWS, 128), bce)
    return out.reshape(())

# --- scband reference (transcript-rebuilt; emitter-appended) ---
"""Pipeline reference for scband-bce-and-lovasz-39883066311294 (READ-ONLY COPY).

The authoritative reference and input builder live on the scoring server;
editing this copy changes nothing except your own understanding.
"""

import jax, jax.numpy as jnp
import numpy as np


def setup_inputs(seed: int = 0) -> dict:
    key = jax.random.key(seed)
    k1, k2 = jax.random.split(key)
    inputs = jax.random.normal(k1, (16, 1, 512, 512), dtype=jnp.float32)
    targets = jax.random.uniform(k2, (16, 1, 512, 512), dtype=jnp.float32)
    return {"inputs": inputs, "targets": targets}


def _lovasz_grad(gt_sorted):
    gts = jnp.sum(gt_sorted)
    intersection = gts - jnp.cumsum(gt_sorted)
    union = gts + jnp.cumsum(1.0 - gt_sorted)
    jaccard = 1.0 - intersection / union
    # jaccard[1:] = jaccard[1:] - jaccard[:-1]
    jaccard = jnp.concatenate([jaccard[:1], jaccard[1:] - jaccard[:-1]])
    return jaccard


def _lovasz_hinge(logits, targets):
    logits = logits.reshape(-1)
    targets = targets.reshape(-1).astype(jnp.float32)
    signs = 2.0 * targets - 1.0
    errors = 1.0 - logits * signs
    perm = jnp.argsort(-errors)  # descending sort permutation
    errors_sorted = errors[perm]
    gt_sorted = targets[perm]
    grad = _lovasz_grad(gt_sorted)
    return jnp.dot(jax.nn.relu(errors_sorted), grad)


def _lovasz_softmax(probas, targets):
    C = probas.shape[1]
    losses = []
    for c in range(C):
        target_c = (targets == c).astype(jnp.float32)
        if C == 1:
            probas_c = probas[:, 0]
        else:
            probas_c = probas[:, c]
        losses.append(_lovasz_hinge(probas_c, target_c))
    return jnp.mean(jnp.stack(losses))


def _bce_with_logits_mean(x, t):
    # numerically stable BCEWithLogitsLoss (mean reduction)
    return jnp.mean(jnp.maximum(x, 0.0) - x * t + jnp.log1p(jnp.exp(-jnp.abs(x))))


def reference(inputs, targets):
    bce_weight = 0.8
    lovasz_weight = 0.2
    class_bce_weights = jnp.array([0.5], dtype=jnp.float32)
    class_lovasz_weights = jnp.array([1.0], dtype=jnp.float32)

    bce_loss_value = _bce_with_logits_mean(inputs, targets)
    bce_loss_value = jnp.sum(bce_loss_value * class_bce_weights)

    lovasz_loss_value = _lovasz_softmax(inputs, targets)
    lovasz_loss_value = jnp.sum(lovasz_loss_value * class_lovasz_weights)

    combined_loss = bce_weight * bce_loss_value + lovasz_weight * lovasz_loss_value
    return combined_loss

if __name__ == "__main__":
    import jax
    _d = setup_inputs()
    print(jax.jit(kernel)(*tuple(_d.values())))

</pallas_src>

<mosaic_0001>
#map = affine_map<(d0, d1) -> (0)>
#map1 = affine_map<(d0, d1) -> (0, 0)>
module attributes {stable_mosaic.version = 14 : i64} {
  func.func @_sc_stage(%arg0: i32, %arg1: i32, %arg2: memref<4194304xf32, #tpu.memory_space<hbm>>, %arg3: memref<4194304xf32, #tpu.memory_space<hbm>>, %arg4: memref<32x40960xf32, #tpu.memory_space<hbm>>, %arg5: memref<32x40960xf32, #tpu.memory_space<hbm>>, %arg6: memref<2x8192xf32, #tpu.memory_space<vmem>>, %arg7: memref<2x8192xf32, #tpu.memory_space<vmem>>, %arg8: memref<40960xf32, #tpu.memory_space<vmem>>, %arg9: memref<40960xf32, #tpu.memory_space<vmem>>, %arg10: memref<2x!tpu.dma_semaphore, #tpu.memory_space<semaphore_mem>>) attributes {dimension_semantics = [#tpu.dimension_semantics<core_parallel>, #tpu.dimension_semantics<subcore_parallel>], iteration_bounds = array<i64: 2, 16>, scalar_prefetch = 0 : i64, scratch_operands = 5 : i64, tpu.core_type = #tpu.core_type<sc_vector_subcore>, window_params = [{transform_indices = #map}, {transform_indices = #map}, {transform_indices = #map1}, {transform_indices = #map1}]} {
    %mul3A = arith.constant 2 : i32
    %mul3A_0 = arith.muli %arg1, %mul3A : i32
    %add3A = arith.addi %mul3A_0, %arg0 : i32
    %mul3A_1 = arith.constant 131072 : i32
    %mul3A_2 = arith.muli %add3A, %mul3A_1 : i32
    %add3A_3 = arith.constant 0 : i32
    %add3A_4 = arith.addi %mul3A_2, %add3A_3 : i32
    %dma_start3A = arith.constant 0 : i32
    %dma_start3A_5 = arith.constant 0 : i32
    %dma_start3A_6 = arith.constant 0 : i32
    %dma_start3A_7 = tpu.memref_slice %arg6[%dma_start3A, %dma_start3A_6] : memref<2x8192xf32, #tpu.memory_space<vmem>> -> memref<1x8192xf32, #tpu.memory_space<vmem>>
    %dma_start3A_8 = tpu.memref_squeeze %dma_start3A_7 : memref<1x8192xf32, #tpu.memory_space<vmem>> -> memref<8192xf32, #tpu.memory_space<vmem>>
    %dma_start3A_9 = tpu.memref_slice %arg2[%add3A_4] : memref<4194304xf32, #tpu.memory_space<hbm>> -> memref<8192xf32, #tpu.memory_space<hbm>>
    %dma_start3A_10 = tpu.memref_slice %arg10[%dma_start3A_5] : memref<2x!tpu.dma_semaphore, #tpu.memory_space<semaphore_mem>> -> memref<1x!tpu.dma_semaphore, #tpu.memory_space<semaphore_mem>>
    %dma_start3A_11 = tpu.memref_squeeze %dma_start3A_10 : memref<1x!tpu.dma_semaphore, #tpu.memory_space<semaphore_mem>> -> memref<!tpu.dma_semaphore, #tpu.memory_space<semaphore_mem>>
    %dma_start3A_12 = arith.constant 0 : i32
    %dma_start3A_13 = tpu.memref_slice %arg6[%dma_start3A, %dma_start3A_12] : memref<2x8192xf32, #tpu.memory_space<vmem>> -> memref<1x8192xf32, #tpu.memory_space<vmem>>
    %dma_start3A_14 = tpu.memref_squeeze %dma_start3A_13 : memref<1x8192xf32, #tpu.memory_space<vmem>> -> memref<8192xf32, #tpu.memory_space<vmem>>
    %dma_start3A_15 = tpu.memref_slice %arg2[%add3A_4] : memref<4194304xf32, #tpu.memory_space<hbm>> -> memref<8192xf32, #tpu.memory_space<hbm>>
    tpu.enqueue_dma source(%dma_start3A_15 : memref<8192xf32, #tpu.memory_space<hbm>>) target(%dma_start3A_14 : memref<8192xf32, #tpu.memory_space<vmem>>) target_semaphore(%dma_start3A_11 : memref<!tpu.dma_semaphore, #tpu.memory_space<semaphore_mem>>)
    %dma_start3A_16 = arith.constant 0 : i32
    %dma_start3A_17 = arith.constant 0 : i32
    %dma_start3A_18 = arith.constant 0 : i32
    %dma_start3A_19 = tpu.memref_slice %arg7[%dma_start3A_16, %dma_start3A_18] : memref<2x8192xf32, #tpu.memory_space<vmem>> -> memref<1x8192xf32, #tpu.memory_space<vmem>>
    %dma_start3A_20 = tpu.memref_squeeze %dma_start3A_19 : memref<1x8192xf32, #tpu.memory_space<vmem>> -> memref<8192xf32, #tpu.memory_space<vmem>>
    %dma_start3A_21 = tpu.memref_slice %arg3[%add3A_4] : memref<4194304xf32, #tpu.memory_space<hbm>> -> memref<8192xf32, #tpu.memory_space<hbm>>
    %dma_start3A_22 = tpu.memref_slice %arg10[%dma_start3A_17] : memref<2x!tpu.dma_semaphore, #tpu.memory_space<semaphore_mem>> -> memref<1x!tpu.dma_semaphore, #tpu.memory_space<semaphore_mem>>
    %dma_start3A_23 = tpu.memref_squeeze %dma_start3A_22 : memref<1x!tpu.dma_semaphore, #tpu.memory_space<semaphore_mem>> -> memref<!tpu.dma_semaphore, #tpu.memory_space<semaphore_mem>>
    %dma_start3A_24 = arith.constant 0 : i32
    %dma_start3A_25 = tpu.memref_slice %arg7[%dma_start3A_16, %dma_start3A_24] : memref<2x8192xf32, #tpu.memory_space<vmem>> -> memref<1x8192xf32, #tpu.memory_space<vmem>>
    %dma_start3A_26 = tpu.memref_squeeze %dma_start3A_25 : memref<1x8192xf32, #tpu.memory_space<vmem>> -> memref<8192xf32, #tpu.memory_space<vmem>>
    %dma_start3A_27 = tpu.memref_slice %arg3[%add3A_4] : memref<4194304xf32, #tpu.memory_space<hbm>> -> memref<8192xf32, #tpu.memory_space<hbm>>
    tpu.enqueue_dma source(%dma_start3A_27 : memref<8192xf32, #tpu.memory_space<hbm>>) target(%dma_start3A_26 : memref<8192xf32, #tpu.memory_space<vmem>>) target_semaphore(%dma_start3A_23 : memref<!tpu.dma_semaphore, #tpu.memory_space<semaphore_mem>>)
    %add3A_28 = arith.constant 8192 : i32
    %add3A_29 = arith.addi %mul3A_2, %add3A_28 : i32
    %dma_start3A_30 = arith.constant 1 : i32
    %dma_start3A_31 = arith.constant 1 : i32
    %dma_start3A_32 = arith.constant 0 : i32
    %dma_start3A_33 = tpu.memref_slice %arg6[%dma_start3A_30, %dma_start3A_32] : memref<2x8192xf32, #tpu.memory_space<vmem>> -> memref<1x8192xf32, #tpu.memory_space<vmem>>
    %dma_start3A_34 = tpu.memref_squeeze %dma_start3A_33 : memref<1x8192xf32, #tpu.memory_space<vmem>> -> memref<8192xf32, #tpu.memory_space<vmem>>
    %dma_start3A_35 = tpu.memref_slice %arg2[%add3A_29] : memref<4194304xf32, #tpu.memory_space<hbm>> -> memref<8192xf32, #tpu.memory_space<hbm>>
    %dma_start3A_36 = tpu.memref_slice %arg10[%dma_start3A_31] : memref<2x!tpu.dma_semaphore, #tpu.memory_space<semaphore_mem>> -> memref<1x!tpu.dma_semaphore, #tpu.memory_space<semaphore_mem>>
    %dma_start3A_37 = tpu.memref_squeeze %dma_start3A_36 : memref<1x!tpu.dma_semaphore, #tpu.memory_space<semaphore_mem>> -> memref<!tpu.dma_semaphore, #tpu.memory_space<semaphore_mem>>
    %dma_start3A_38 = arith.constant 0 : i32
    %dma_start3A_39 = tpu.memref_slice %arg6[%dma_start3A_30, %dma_start3A_38] : memref<2x8192xf32, #tpu.memory_space<vmem>> -> memref<1x8192xf32, #tpu.memory_space<vmem>>
    %dma_start3A_40 = tpu.memref_squeeze %dma_start3A_39 : memref<1x8192xf32, #tpu.memory_space<vmem>> -> memref<8192xf32, #tpu.memory_space<vmem>>
    %dma_start3A_41 = tpu.memref_slice %arg2[%add3A_29] : memref<4194304xf32, #tpu.memory_space<hbm>> -> memref<8192xf32, #tpu.memory_space<hbm>>
    tpu.enqueue_dma source(%dma_start3A_41 : memref<8192xf32, #tpu.memory_space<hbm>>) target(%dma_start3A_40 : memref<8192xf32, #tpu.memory_space<vmem>>) target_semaphore(%dma_start3A_37 : memref<!tpu.dma_semaphore, #tpu.memory_space<semaphore_mem>>)
    %dma_start3A_42 = arith.constant 1 : i32
    %dma_start3A_43 = arith.constant 1 : i32
    %dma_start3A_44 = arith.constant 0 : i32
    %dma_start3A_45 = tpu.memref_slice %arg7[%dma_start3A_42, %dma_start3A_44] : memref<2x8192xf32, #tpu.memory_space<vmem>> -> memref<1x8192xf32, #tpu.memory_space<vmem>>
    %dma_start3A_46 = tpu.memref_squeeze %dma_start3A_45 : memref<1x8192xf32, #tpu.memory_space<vmem>> -> memref<8192xf32, #tpu.memory_space<vmem>>
    %dma_start3A_47 = tpu.memref_slice %arg3[%add3A_29] : memref<4194304xf32, #tpu.memory_space<hbm>> -> memref<8192xf32, #tpu.memory_space<hbm>>
    %dma_start3A_48 = tpu.memref_slice %arg10[%dma_start3A_43] : memref<2x!tpu.dma_semaphore, #tpu.memory_space<semaphore_mem>> -> memref<1x!tpu.dma_semaphore, #tpu.memory_space<semaphore_mem>>
    %dma_start3A_49 = tpu.memref_squeeze %dma_start3A_48 : memref<1x!tpu.dma_semaphore, #tpu.memory_space<semaphore_mem>> -> memref<!tpu.dma_semaphore, #tpu.memory_space<semaphore_mem>>
    %dma_start3A_50 = arith.constant 0 : i32
    %dma_start3A_51 = tpu.memref_slice %arg7[%dma_start3A_42, %dma_start3A_50] : memref<2x8192xf32, #tpu.memory_space<vmem>> -> memref<1x8192xf32, #tpu.memory_space<vmem>>
    %dma_start3A_52 = tpu.memref_squeeze %dma_start3A_51 : memref<1x8192xf32, #tpu.memory_space<vmem>> -> memref<8192xf32, #tpu.memory_space<vmem>>
    %dma_start3A_53 = tpu.memref_slice %arg3[%add3A_29] : memref<4194304xf32, #tpu.memory_space<hbm>> -> memref<8192xf32, #tpu.memory_space<hbm>>
    tpu.enqueue_dma source(%dma_start3A_53 : memref<8192xf32, #tpu.memory_space<hbm>>) target(%dma_start3A_52 : memref<8192xf32, #tpu.memory_space<vmem>>) target_semaphore(%dma_start3A_49 : memref<!tpu.dma_semaphore, #tpu.memory_space<semaphore_mem>>)
    %broadcast_in_dim3A = arith.constant 0.000000e+00 : f32
    %broadcast_in_dim3A_54 = vector.broadcast %broadcast_in_dim3A : f32 to vector<16xf32>
    %parallel_loop3A = arith.constant 0 : i32
    %parallel_loop3A_55 = arith.constant 40960 : i32
    %parallel_loop3A_56 = arith.constant 16 : i32
    scf.for %parallel_loop3A_64 = %parallel_loop3A to %parallel_loop3A_55 step %parallel_loop3A_56  : i32 {
      %parallel_loop3A_65 = arith.index_cast %parallel_loop3A_64 : i32 to index
      %parallel_loop3A_66 = tpu.vector_load %arg8[%parallel_loop3A_65] {strides = array<i32>} : memref<40960xf32, #tpu.memory_space<vmem>>, vector<16xf32>,
      tpu.vector_store %arg8[%parallel_loop3A_65], %broadcast_in_dim3A_54 {strides = array<i32>} : memref<40960xf32, #tpu.memory_space<vmem>>, vector<16xf32>,
      %parallel_loop3A_67 = arith.index_cast %parallel_loop3A_64 : i32 to index
      %parallel_loop3A_68 = tpu.vector_load %arg9[%parallel_loop3A_67] {strides = array<i32>} : memref<40960xf32, #tpu.memory_space<vmem>>, vector<16xf32>,
      tpu.vector_store %arg9[%parallel_loop3A_67], %broadcast_in_dim3A_54 {strides = array<i32>} : memref<40960xf32, #tpu.memory_space<vmem>>, vector<16xf32>,
    } {sc.loop_unroll_factor = 8 : i64, sc.parallel_access}
    %broadcast_in_dim3A_57 = arith.constant 1.000000e+00 : f32
    %broadcast_in_dim3A_58 = vector.broadcast %broadcast_in_dim3A_57 : f32 to vector<16xf32>
    %scan3A = arith.constant 0 : i32
    %scan3A_59 = arith.constant 0 : i32
    %scan3A_60 = arith.constant 8 : i32
    %scan3A_61 = arith.addi %scan3A_59, %scan3A_60 : i32
    %scan3A_62 = arith.constant 1 : i32
    scf.for %scan3A_64 = %scan3A_59 to %scan3A_61 step %scan3A_62  : i32 {
      %mul3A_65 = arith.constant 2 : i32
      %mul3A_66 = arith.muli %scan3A_64, %mul3A_65 : i32
      %add3A_67 = arith.constant 0 : i32
      %add3A_68 = arith.addi %mul3A_66, %add3A_67 : i32
      %dma_wait3A = arith.constant 0 : i32
      %dma_wait3A_69 = arith.constant 0 : i32
      %dma_wait3A_70 = arith.constant 0 : i32
      %dma_wait3A_71 = tpu.memref_slice %arg6[%dma_wait3A, %dma_wait3A_70] : memref<2x8192xf32, #tpu.memory_space<vmem>> -> memref<1x8192xf32, #tpu.memory_space<vmem>>
      %dma_wait3A_72 = tpu.memref_squeeze %dma_wait3A_71 : memref<1x8192xf32, #tpu.memory_space<vmem>> -> memref<8192xf32, #tpu.memory_space<vmem>>
      %dma_wait3A_73 = arith.constant 0 : i32
      %dma_wait3A_74 = tpu.memref_slice %arg2[%dma_wait3A_73] : memref<4194304xf32, #tpu.memory_space<hbm>> -> memref<8192xf32, #tpu.memory_space<hbm>>
      %dma_wait3A_75 = tpu.memref_slice %arg10[%dma_wait3A_69] : memref<2x!tpu.dma_semaphore, #tpu.memory_space<semaphore_mem>> -> memref<1x!tpu.dma_semaphore, #tpu.memory_space<semaphore_mem>>
      %dma_wait3A_76 = tpu.memref_squeeze %dma_wait3A_75 : memref<1x!tpu.dma_semaphore, #tpu.memory_space<semaphore_mem>> -> memref<!tpu.dma_semaphore, #tpu.memory_space<semaphore_mem>>
      %dma_wait3A_77 = arith.constant 0 : i32
      %dma_wait3A_78 = tpu.memref_slice %arg6[%dma_wait3A, %dma_wait3A_77] : memref<2x8192xf32, #tpu.memory_space<vmem>> -> memref<1x8192xf32, #tpu.memory_space<vmem>>
      %dma_wait3A_79 = tpu.memref_squeeze %dma_wait3A_78 : memref<1x8192xf32, #tpu.memory_space<vmem>> -> memref<8192xf32, #tpu.memory_space<vmem>>
      %dma_wait3A_80 = arith.constant 0 : i32
      %dma_wait3A_81 = tpu.memref_slice %arg2[%dma_wait3A_80] : memref<4194304xf32, #tpu.memory_space<hbm>> -> memref<8192xf32, #tpu.memory_space<hbm>>
      tpu.wait_dma2 semaphore(%dma_wait3A_76 : memref<!tpu.dma_semaphore, #tpu.memory_space<semaphore_mem>>) src(%dma_wait3A_81 : memref<8192xf32, #tpu.memory_space<hbm>>) dst(%dma_wait3A_79 : memref<8192xf32, #tpu.memory_space<vmem>>)
      %dma_wait3A_82 = arith.constant 0 : i32
      %dma_wait3A_83 = arith.constant 0 : i32
      %dma_wait3A_84 = arith.constant 0 : i32
      %dma_wait3A_85 = tpu.memref_slice %arg7[%dma_wait3A_82, %dma_wait3A_84] : memref<2x8192xf32, #tpu.memory_space<vmem>> -> memref<1x8192xf32, #tpu.memory_space<vmem>>
      %dma_wait3A_86 = tpu.memref_squeeze %dma_wait3A_85 : memref<1x8192xf32, #tpu.memory_space<vmem>> -> memref<8192xf32, #tpu.memory_space<vmem>>
      %dma_wait3A_87 = arith.constant 0 : i32
      %dma_wait3A_88 = tpu.memref_slice %arg3[%dma_wait3A_87] : memref<4194304xf32, #tpu.memory_space<hbm>> -> memref<8192xf32, #tpu.memory_space<hbm>>
      %dma_wait3A_89 = tpu.memref_slice %arg10[%dma_wait3A_83] : memref<2x!tpu.dma_semaphore, #tpu.memory_space<semaphore_mem>> -> memref<1x!tpu.dma_semaphore, #tpu.memory_space<semaphore_mem>>
      %dma_wait3A_90 = tpu.memref_squeeze %dma_wait3A_89 : memref<1x!tpu.dma_semaphore, #tpu.memory_space<semaphore_mem>> -> memref<!tpu.dma_semaphore, #tpu.memory_space<semaphore_mem>>
      %dma_wait3A_91 = arith.constant 0 : i32
      %dma_wait3A_92 = tpu.memref_slice %arg7[%dma_wait3A_82, %dma_wait3A_91] : memref<2x8192xf32, #tpu.memory_space<vmem>> -> memref<1x8192xf32, #tpu.memory_space<vmem>>
      %dma_wait3A_93 = tpu.memref_squeeze %dma_wait3A_92 : memref<1x8192xf32, #tpu.memory_space<vmem>> -> memref<8192xf32, #tpu.memory_space<vmem>>
      %dma_wait3A_94 = arith.constant 0 : i32
      %dma_wait3A_95 = tpu.memref_slice %arg3[%dma_wait3A_94] : memref<4194304xf32, #tpu.memory_space<hbm>> -> memref<8192xf32, #tpu.memory_space<hbm>>
      tpu.wait_dma2 semaphore(%dma_wait3A_90 : memref<!tpu.dma_semaphore, #tpu.memory_space<semaphore_mem>>) src(%dma_wait3A_95 : memref<8192xf32, #tpu.memory_space<hbm>>) dst(%dma_wait3A_93 : memref<8192xf32, #tpu.memory_space<vmem>>)
      %parallel_loop3A_96 = arith.constant 0 : i32
      %parallel_loop3A_97 = arith.constant 8192 : i32
      %parallel_loop3A_98 = arith.constant 16 : i32
      scf.for %parallel_loop3A_145 = %parallel_loop3A_96 to %parallel_loop3A_97 step %parallel_loop3A_98  : i32 {
        %parallel_loop3A_146 = arith.constant 0 : i32
        %parallel_loop3A_147 = arith.index_cast %parallel_loop3A_146 : i32 to index
        %parallel_loop3A_148 = arith.index_cast %parallel_loop3A_145 : i32 to index
        %parallel_loop3A_149 = tpu.vector_load %arg6[%parallel_loop3A_147, %parallel_loop3A_148] {strides = array<i32>} : memref<2x8192xf32, #tpu.memory_space<vmem>>, vector<16xf32>,
        %parallel_loop3A_150 = arith.constant 0 : i32
        %parallel_loop3A_151 = arith.index_cast %parallel_loop3A_150 : i32 to index
        %parallel_loop3A_152 = arith.index_cast %parallel_loop3A_145 : i32 to index
        %parallel_loop3A_153 = tpu.vector_load %arg7[%parallel_loop3A_151, %parallel_loop3A_152] {strides = array<i32>} : memref<2x8192xf32, #tpu.memory_space<vmem>>, vector<16xf32>,
        %parallel_loop3A_154 = arith.constant 0.000000e+00 : f32
        %parallel_loop3A_155 = vector.broadcast %parallel_loop3A_154 : f32 to vector<16xf32>
        %parallel_loop3A_156 = arith.cmpf oeq, %parallel_loop3A_153, %parallel_loop3A_155 : vector<16xf32>
        %parallel_loop3A_157 = arith.constant 1.000000e+00 : f32
        %parallel_loop3A_158 = arith.constant -1.000000e+00 : f32
        %parallel_loop3A_159 = vector.broadcast %parallel_loop3A_157 : f32 to vector<16xf32>
        %parallel_loop3A_160 = vector.broadcast %parallel_loop3A_158 : f32 to vector<16xf32>
        %parallel_loop3A_161 = arith.select %parallel_loop3A_156, %parallel_loop3A_159, %parallel_loop3A_160 : vector<16xi1>, vector<16xf32>
        %parallel_loop3A_162 = arith.mulf %parallel_loop3A_149, %parallel_loop3A_161 : vector<16xf32>
        %parallel_loop3A_163 = arith.constant 1.000000e+00 : f32
        %parallel_loop3A_164 = vector.broadcast %parallel_loop3A_163 : f32 to vector<16xf32>
        %parallel_loop3A_165 = arith.subf %parallel_loop3A_164, %parallel_loop3A_162 : vector<16xf32>
        %parallel_loop3A_166 = arith.constant 0.000000e+00 : f32
        %parallel_loop3A_167 = vector.broadcast %parallel_loop3A_166 : f32 to vector<16xf32>
        %parallel_loop3A_168 = arith.maximumf %parallel_loop3A_165, %parallel_loop3A_167 : vector<16xf32>
        %parallel_loop3A_169 = tpu.bitcast %parallel_loop3A_165 : vector<16xf32> -> vector<16xi32>
        %parallel_loop3A_170 = arith.constant 13 : i32
        %parallel_loop3A_171 = vector.broadcast %parallel_loop3A_170 : i32 to vector<16xi32>
        %parallel_loop3A_172 = arith.shrsi %parallel_loop3A_169, %parallel_loop3A_171 : vector<16xi32>
        %parallel_loop3A_173 = arith.constant 119808 : i32
        %parallel_loop3A_174 = vector.broadcast %parallel_loop3A_173 : i32 to vector<16xi32>
        %parallel_loop3A_175 = arith.subi %parallel_loop3A_172, %parallel_loop3A_174 : vector<16xi32>
        %parallel_loop3A_176 = arith.constant 0 : i32
        %parallel_loop3A_177 = arith.constant 20479 : i32
        %parallel_loop3A_178 = vector.broadcast %parallel_loop3A_176 : i32 to vector<16xi32>
        %parallel_loop3A_179 = arith.maxsi %parallel_loop3A_178, %parallel_loop3A_175 : vector<16xi32>
        %parallel_loop3A_180 = vector.broadcast %parallel_loop3A_177 : i32 to vector<16xi32>
        %parallel_loop3A_181 = arith.minsi %parallel_loop3A_180, %parallel_loop3A_179 : vector<16xi32>
        %parallel_loop3A_182 = arith.constant 20480 : i32
        %parallel_loop3A_183 = arith.constant 0 : i32
        %parallel_loop3A_184 = vector.broadcast %parallel_loop3A_182 : i32 to vector<16xi32>
        %parallel_loop3A_185 = vector.broadcast %parallel_loop3A_183 : i32 to vector<16xi32>
        %parallel_loop3A_186 = arith.select %parallel_loop3A_156, %parallel_loop3A_184, %parallel_loop3A_185 : vector<16xi1>, vector<16xi32>
        %parallel_loop3A_187 = arith.addi %parallel_loop3A_181, %parallel_loop3A_186 : vector<16xi32>
        %parallel_loop3A_188 = arith.constant 0.000000e+00 : f32
        %parallel_loop3A_189 = vector.broadcast %parallel_loop3A_188 : f32 to vector<16xf32>
        %parallel_loop3A_190 = arith.cmpf ogt, %parallel_loop3A_165, %parallel_loop3A_189 : vector<16xf32>
        %parallel_loop3A_191 = arith.ori %parallel_loop3A_190, %parallel_loop3A_156 : vector<16xi1>
        tpu.vector_store_idx %arg8[%parallel_loop3A_187], %broadcast_in_dim3A_58 masked %parallel_loop3A_191 {add = true} : memref<40960xf32, #tpu.memory_space<vmem>>[vector<16xi32>], vector<16xf32>, vector<16xi1>
        tpu.vector_store_idx %arg9[%parallel_loop3A_187], %parallel_loop3A_168 masked %parallel_loop3A_191 {add = true} : memref<40960xf32, #tpu.memory_space<vmem>>[vector<16xi32>], vector<16xf32>, vector<16xi1>
      } {sc.loop_unroll_factor = 8 : i64, sc.parallel_access}
      %add3A_99 = arith.constant 2 : i32
      %add3A_100 = arith.addi %add3A_68, %add3A_99 : i32
      %lt3A = arith.constant 16 : i32
      %lt3A_101 = arith.cmpi slt, %add3A_100, %lt3A : i32
      %convert_element_type3A = arith.extui %lt3A_101 : i1 to i32
      %cond3A = arith.constant 0 : i32
      %cond3A_102 = arith.cmpi ne, %convert_element_type3A, %cond3A : i32
      scf.if %cond3A_102 {
        %add3A_145 = arith.constant 2 : i32
        %add3A_146 = arith.addi %add3A_68, %add3A_145 : i32
        %mul3A_147 = arith.constant 8192 : i32
        %mul3A_148 = arith.muli %add3A_146, %mul3A_147 : i32
        %add3A_149 = arith.addi %mul3A_2, %mul3A_148 : i32
        %dma_start3A_150 = arith.constant 0 : i32
        %dma_start3A_151 = arith.constant 0 : i32
        %dma_start3A_152 = arith.constant 0 : i32
        %dma_start3A_153 = tpu.memref_slice %arg6[%dma_start3A_150, %dma_start3A_152] : memref<2x8192xf32, #tpu.memory_space<vmem>> -> memref<1x8192xf32, #tpu.memory_space<vmem>>
        %dma_start3A_154 = tpu.memref_squeeze %dma_start3A_153 : memref<1x8192xf32, #tpu.memory_space<vmem>> -> memref<8192xf32, #tpu.memory_space<vmem>>
        %dma_start3A_155 = tpu.memref_slice %arg2[%add3A_149] : memref<4194304xf32, #tpu.memory_space<hbm>> -> memref<8192xf32, #tpu.memory_space<hbm>>
        %dma_start3A_156 = tpu.memref_slice %arg10[%dma_start3A_151] : memref<2x!tpu.dma_semaphore, #tpu.memory_space<semaphore_mem>> -> memref<1x!tpu.dma_semaphore, #tpu.memory_space<semaphore_mem>>
        %dma_start3A_157 = tpu.memref_squeeze %dma_start3A_156 : memref<1x!tpu.dma_semaphore, #tpu.memory_space<semaphore_mem>> -> memref<!tpu.dma_semaphore, #tpu.memory_space<semaphore_mem>>
        %dma_start3A_158 = arith.constant 0 : i32
        %dma_start3A_159 = tpu.memref_slice %arg6[%dma_start3A_150, %dma_start3A_158] : memref<2x8192xf32, #tpu.memory_space<vmem>> -> memref<1x8192xf32, #tpu.memory_space<vmem>>
        %dma_start3A_160 = tpu.memref_squeeze %dma_start3A_159 : memref<1x8192xf32, #tpu.memory_space<vmem>> -> memref<8192xf32, #tpu.memory_space<vmem>>
        %dma_start3A_161 = tpu.memref_slice %arg2[%add3A_149] : memref<4194304xf32, #tpu.memory_space<hbm>> -> memref<8192xf32, #tpu.memory_space<hbm>>
        tpu.enqueue_dma source(%dma_start3A_161 : memref<8192xf32, #tpu.memory_space<hbm>>) target(%dma_start3A_160 : memref<8192xf32, #tpu.memory_space<vmem>>) target_semaphore(%dma_start3A_157 : memref<!tpu.dma_semaphore, #tpu.memory_space<semaphore_mem>>)
        %dma_start3A_162 = arith.constant 0 : i32
        %dma_start3A_163 = arith.constant 0 : i32
        %dma_start3A_164 = arith.constant 0 : i32
        %dma_start3A_165 = tpu.memref_slice %arg7[%dma_start3A_162, %dma_start3A_164] : memref<2x8192xf32, #tpu.memory_space<vmem>> -> memref<1x8192xf32, #tpu.memory_space<vmem>>
        %dma_start3A_166 = tpu.memref_squeeze %dma_start3A_165 : memref<1x8192xf32, #tpu.memory_space<vmem>> -> memref<8192xf32, #tpu.memory_space<vmem>>
        %dma_start3A_167 = tpu.memref_slice %arg3[%add3A_149] : memref<4194304xf32, #tpu.memory_space<hbm>> -> memref<8192xf32, #tpu.memory_space<hbm>>
        %dma_start3A_168 = tpu.memref_slice %arg10[%dma_start3A_163] : memref<2x!tpu.dma_semaphore, #tpu.memory_space<semaphore_mem>> -> memref<1x!tpu.dma_semaphore, #tpu.memory_space<semaphore_mem>>
        %dma_start3A_169 = tpu.memref_squeeze %dma_start3A_168 : memref<1x!tpu.dma_semaphore, #tpu.memory_space<semaphore_mem>> -> memref<!tpu.dma_semaphore, #tpu.memory_space<semaphore_mem>>
        %dma_start3A_170 = arith.constant 0 : i32
        %dma_start3A_171 = tpu.memref_slice %arg7[%dma_start3A_162, %dma_start3A_170] : memref<2x8192xf32, #tpu.memory_space<vmem>> -> memref<1x8192xf32, #tpu.memory_space<vmem>>
        %dma_start3A_172 = tpu.memref_squeeze %dma_start3A_171 : memref<1x8192xf32, #tpu.memory_space<vmem>> -> memref<8192xf32, #tpu.memory_space<vmem>>
        %dma_start3A_173 = tpu.memref_slice %arg3[%add3A_149] : memref<4194304xf32, #tpu.memory_space<hbm>> -> memref<8192xf32, #tpu.memory_space<hbm>>
        tpu.enqueue_dma source(%dma_start3A_173 : memref<8192xf32, #tpu.memory_space<hbm>>) target(%dma_start3A_172 : memref<8192xf32, #tpu.memory_space<vmem>>) target_semaphore(%dma_start3A_169 : memref<!tpu.dma_semaphore, #tpu.memory_space<semaphore_mem>>)
      } else {
      }
      %mul3A_103 = arith.constant 2 : i32
      %mul3A_104 = arith.muli %scan3A_64, %mul3A_103 : i32
      %add3A_105 = arith.constant 1 : i32
      %add3A_106 = arith.addi %mul3A_104, %add3A_105 : i32
      %dma_wait3A_107 = arith.constant 1 : i32
      %dma_wait3A_108 = arith.constant 1 : i32
      %dma_wait3A_109 = arith.constant 0 : i32
      %dma_wait3A_110 = tpu.memref_slice %arg6[%dma_wait3A_107, %dma_wait3A_109] : memref<2x8192xf32, #tpu.memory_space<vmem>> -> memref<1x8192xf32, #tpu.memory_space<vmem>>
      %dma_wait3A_111 = tpu.memref_squeeze %dma_wait3A_110 : memref<1x8192xf32, #tpu.memory_space<vmem>> -> memref<8192xf32, #tpu.memory_space<vmem>>
      %dma_wait3A_112 = arith.constant 0 : i32
      %dma_wait3A_113 = tpu.memref_slice %arg2[%dma_wait3A_112] : memref<4194304xf32, #tpu.memory_space<hbm>> -> memref<8192xf32, #tpu.memory_space<hbm>>
      %dma_wait3A_114 = tpu.memref_slice %arg10[%dma_wait3A_108] : memref<2x!tpu.dma_semaphore, #tpu.memory_space<semaphore_mem>> -> memref<1x!tpu.dma_semaphore, #tpu.memory_space<semaphore_mem>>
      %dma_wait3A_115 = tpu.memref_squeeze %dma_wait3A_114 : memref<1x!tpu.dma_semaphore, #tpu.memory_space<semaphore_mem>> -> memref<!tpu.dma_semaphore, #tpu.memory_space<semaphore_mem>>
      %dma_wait3A_116 = arith.constant 0 : i32
      %dma_wait3A_117 = tpu.memref_slice %arg6[%dma_wait3A_107, %dma_wait3A_116] : memref<2x8192xf32, #tpu.memory_space<vmem>> -> memref<1x8192xf32, #tpu.memory_space<vmem>>
      %dma_wait3A_118 = tpu.memref_squeeze %dma_wait3A_117 : memref<1x8192xf32, #tpu.memory_space<vmem>> -> memref<8192xf32, #tpu.memory_space<vmem>>
      %dma_wait3A_119 = arith.constant 0 : i32
      %dma_wait3A_120 = tpu.memref_slice %arg2[%dma_wait3A_119] : memref<4194304xf32, #tpu.memory_space<hbm>> -> memref<8192xf32, #tpu.memory_space<hbm>>
      tpu.wait_dma2 semaphore(%dma_wait3A_115 : memref<!tpu.dma_semaphore, #tpu.memory_space<semaphore_mem>>) src(%dma_wait3A_120 : memref<8192xf32, #tpu.memory_space<hbm>>) dst(%dma_wait3A_118 : memref<8192xf32, #tpu.memory_space<vmem>>)
      %dma_wait3A_121 = arith.constant 1 : i32
      %dma_wait3A_122 = arith.constant 1 : i32
      %dma_wait3A_123 = arith.constant 0 : i32
      %dma_wait3A_124 = tpu.memref_slice %arg7[%dma_wait3A_121, %dma_wait3A_123] : memref<2x8192xf32, #tpu.memory_space<vmem>> -> memref<1x8192xf32, #tpu.memory_space<vmem>>
      %dma_wait3A_125 = tpu.memref_squeeze %dma_wait3A_124 : memref<1x8192xf32, #tpu.memory_space<vmem>> -> memref<8192xf32, #tpu.memory_space<vmem>>
      %dma_wait3A_126 = arith.constant 0 : i32
      %dma_wait3A_127 = tpu.memref_slice %arg3[%dma_wait3A_126] : memref<4194304xf32, #tpu.memory_space<hbm>> -> memref<8192xf32, #tpu.memory_space<hbm>>
      %dma_wait3A_128 = tpu.memref_slice %arg10[%dma_wait3A_122] : memref<2x!tpu.dma_semaphore, #tpu.memory_space<semaphore_mem>> -> memref<1x!tpu.dma_semaphore, #tpu.memory_space<semaphore_mem>>
      %dma_wait3A_129 = tpu.memref_squeeze %dma_wait3A_128 : memref<1x!tpu.dma_semaphore, #tpu.memory_space<semaphore_mem>> -> memref<!tpu.dma_semaphore, #tpu.memory_space<semaphore_mem>>
      %dma_wait3A_130 = arith.constant 0 : i32
      %dma_wait3A_131 = tpu.memref_slice %arg7[%dma_wait3A_121, %dma_wait3A_130] : memref<2x8192xf32, #tpu.memory_space<vmem>> -> memref<1x8192xf32, #tpu.memory_space<vmem>>
      %dma_wait3A_132 = tpu.memref_squeeze %dma_wait3A_131 : memref<1x8192xf32, #tpu.memory_space<vmem>> -> memref<8192xf32, #tpu.memory_space<vmem>>
      %dma_wait3A_133 = arith.constant 0 : i32
      %dma_wait3A_134 = tpu.memref_slice %arg3[%dma_wait3A_133] : memref<4194304xf32, #tpu.memory_space<hbm>> -> memref<8192xf32, #tpu.memory_space<hbm>>
      tpu.wait_dma2 semaphore(%dma_wait3A_129 : memref<!tpu.dma_semaphore, #tpu.memory_space<semaphore_mem>>) src(%dma_wait3A_134 : memref<8192xf32, #tpu.memory_space<hbm>>) dst(%dma_wait3A_132 : memref<8192xf32, #tpu.memory_space<vmem>>)
      %parallel_loop3A_135 = arith.constant 0 : i32
      %parallel_loop3A_136 = arith.constant 8192 : i32
      %parallel_loop3A_137 = arith.constant 16 : i32
      scf.for %parallel_loop3A_145 = %parallel_loop3A_135 to %parallel_loop3A_136 step %parallel_loop3A_137  : i32 {
        %parallel_loop3A_146 = arith.constant 1 : i32
        %parallel_loop3A_147 = arith.index_cast %parallel_loop3A_146 : i32 to index
        %parallel_loop3A_148 = arith.index_cast %parallel_loop3A_145 : i32 to index
        %parallel_loop3A_149 = tpu.vector_load %arg6[%parallel_loop3A_147, %parallel_loop3A_148] {strides = array<i32>} : memref<2x8192xf32, #tpu.memory_space<vmem>>, vector<16xf32>,
        %parallel_loop3A_150 = arith.constant 1 : i32
        %parallel_loop3A_151 = arith.index_cast %parallel_loop3A_150 : i32 to index
        %parallel_loop3A_152 = arith.index_cast %parallel_loop3A_145 : i32 to index
        %parallel_loop3A_153 = tpu.vector_load %arg7[%parallel_loop3A_151, %parallel_loop3A_152] {strides = array<i32>} : memref<2x8192xf32, #tpu.memory_space<vmem>>, vector<16xf32>,
        %parallel_loop3A_154 = arith.constant 0.000000e+00 : f32
        %parallel_loop3A_155 = vector.broadcast %parallel_loop3A_154 : f32 to vector<16xf32>
        %parallel_loop3A_156 = arith.cmpf oeq, %parallel_loop3A_153, %parallel_loop3A_155 : vector<16xf32>
        %parallel_loop3A_157 = arith.constant 1.000000e+00 : f32
        %parallel_loop3A_158 = arith.constant -1.000000e+00 : f32
        %parallel_loop3A_159 = vector.broadcast %parallel_loop3A_157 : f32 to vector<16xf32>
        %parallel_loop3A_160 = vector.broadcast %parallel_loop3A_158 : f32 to vector<16xf32>
        %parallel_loop3A_161 = arith.select %parallel_loop3A_156, %parallel_loop3A_159, %parallel_loop3A_160 : vector<16xi1>, vector<16xf32>
        %parallel_loop3A_162 = arith.mulf %parallel_loop3A_149, %parallel_loop3A_161 : vector<16xf32>
        %parallel_loop3A_163 = arith.constant 1.000000e+00 : f32
        %parallel_loop3A_164 = vector.broadcast %parallel_loop3A_163 : f32 to vector<16xf32>
        %parallel_loop3A_165 = arith.subf %parallel_loop3A_164, %parallel_loop3A_162 : vector<16xf32>
        %parallel_loop3A_166 = arith.constant 0.000000e+00 : f32
        %parallel_loop3A_167 = vector.broadcast %parallel_loop3A_166 : f32 to vector<16xf32>
        %parallel_loop3A_168 = arith.maximumf %parallel_loop3A_165, %parallel_loop3A_167 : vector<16xf32>
        %parallel_loop3A_169 = tpu.bitcast %parallel_loop3A_165 : vector<16xf32> -> vector<16xi32>
        %parallel_loop3A_170 = arith.constant 13 : i32
        %parallel_loop3A_171 = vector.broadcast %parallel_loop3A_170 : i32 to vector<16xi32>
        %parallel_loop3A_172 = arith.shrsi %parallel_loop3A_169, %parallel_loop3A_171 : vector<16xi32>
        %parallel_loop3A_173 = arith.constant 119808 : i32
        %parallel_loop3A_174 = vector.broadcast %parallel_loop3A_173 : i32 to vector<16xi32>
        %parallel_loop3A_175 = arith.subi %parallel_loop3A_172, %parallel_loop3A_174 : vector<16xi32>
        %parallel_loop3A_176 = arith.constant 0 : i32
        %parallel_loop3A_177 = arith.constant 20479 : i32
        %parallel_loop3A_178 = vector.broadcast %parallel_loop3A_176 : i32 to vector<16xi32>
        %parallel_loop3A_179 = arith.maxsi %parallel_loop3A_178, %parallel_loop3A_175 : vector<16xi32>
        %parallel_loop3A_180 = vector.broadcast %parallel_loop3A_177 : i32 to vector<16xi32>
        %parallel_loop3A_181 = arith.minsi %parallel_loop3A_180, %parallel_loop3A_179 : vector<16xi32>
        %parallel_loop3A_182 = arith.constant 20480 : i32
        %parallel_loop3A_183 = arith.constant 0 : i32
        %parallel_loop3A_184 = vector.broadcast %parallel_loop3A_182 : i32 to vector<16xi32>
        %parallel_loop3A_185 = vector.broadcast %parallel_loop3A_183 : i32 to vector<16xi32>
        %parallel_loop3A_186 = arith.select %parallel_loop3A_156, %parallel_loop3A_184, %parallel_loop3A_185 : vector<16xi1>, vector<16xi32>
        %parallel_loop3A_187 = arith.addi %parallel_loop3A_181, %parallel_loop3A_186 : vector<16xi32>
        %parallel_loop3A_188 = arith.constant 0.000000e+00 : f32
        %parallel_loop3A_189 = vector.broadcast %parallel_loop3A_188 : f32 to vector<16xf32>
        %parallel_loop3A_190 = arith.cmpf ogt, %parallel_loop3A_165, %parallel_loop3A_189 : vector<16xf32>
        %parallel_loop3A_191 = arith.ori %parallel_loop3A_190, %parallel_loop3A_156 : vector<16xi1>
        tpu.vector_store_idx %arg8[%parallel_loop3A_187], %broadcast_in_dim3A_58 masked %parallel_loop3A_191 {add = true} : memref<40960xf32, #tpu.memory_space<vmem>>[vector<16xi32>], vector<16xf32>, vector<16xi1>
        tpu.vector_store_idx %arg9[%parallel_loop3A_187], %parallel_loop3A_168 masked %parallel_loop3A_191 {add = true} : memref<40960xf32, #tpu.memory_space<vmem>>[vector<16xi32>], vector<16xf32>, vector<16xi1>
      } {sc.loop_unroll_factor = 8 : i64, sc.parallel_access}
      %add3A_138 = arith.constant 2 : i32
      %add3A_139 = arith.addi %add3A_106, %add3A_138 : i32
      %lt3A_140 = arith.constant 16 : i32
      %lt3A_141 = arith.cmpi slt, %add3A_139, %lt3A_140 : i32
      %convert_element_type3A_142 = arith.extui %lt3A_141 : i1 to i32
      %cond3A_143 = arith.constant 0 : i32
      %cond3A_144 = arith.cmpi ne, %convert_element_type3A_142, %cond3A_143 : i32
      scf.if %cond3A_144 {
        %add3A_145 = arith.constant 2 : i32
        %add3A_146 = arith.addi %add3A_106, %add3A_145 : i32
        %mul3A_147 = arith.constant 8192 : i32
        %mul3A_148 = arith.muli %add3A_146, %mul3A_147 : i32
        %add3A_149 = arith.addi %mul3A_2, %mul3A_148 : i32
        %dma_start3A_150 = arith.constant 1 : i32
        %dma_start3A_151 = arith.constant 1 : i32
        %dma_start3A_152 = arith.constant 0 : i32
        %dma_start3A_153 = tpu.memref_slice %arg6[%dma_start3A_150, %dma_start3A_152] : memref<2x8192xf32, #tpu.memory_space<vmem>> -> memref<1x8192xf32, #tpu.memory_space<vmem>>
        %dma_start3A_154 = tpu.memref_squeeze %dma_start3A_153 : memref<1x8192xf32, #tpu.memory_space<vmem>> -> memref<8192xf32, #tpu.memory_space<vmem>>
        %dma_start3A_155 = tpu.memref_slice %arg2[%add3A_149] : memref<4194304xf32, #tpu.memory_space<hbm>> -> memref<8192xf32, #tpu.memory_space<hbm>>
        %dma_start3A_156 = tpu.memref_slice %arg10[%dma_start3A_151] : memref<2x!tpu.dma_semaphore, #tpu.memory_space<semaphore_mem>> -> memref<1x!tpu.dma_semaphore, #tpu.memory_space<semaphore_mem>>
        %dma_start3A_157 = tpu.memref_squeeze %dma_start3A_156 : memref<1x!tpu.dma_semaphore, #tpu.memory_space<semaphore_mem>> -> memref<!tpu.dma_semaphore, #tpu.memory_space<semaphore_mem>>
        %dma_start3A_158 = arith.constant 0 : i32
        %dma_start3A_159 = tpu.memref_slice %arg6[%dma_start3A_150, %dma_start3A_158] : memref<2x8192xf32, #tpu.memory_space<vmem>> -> memref<1x8192xf32, #tpu.memory_space<vmem>>
        %dma_start3A_160 = tpu.memref_squeeze %dma_start3A_159 : memref<1x8192xf32, #tpu.memory_space<vmem>> -> memref<8192xf32, #tpu.memory_space<vmem>>
        %dma_start3A_161 = tpu.memref_slice %arg2[%add3A_149] : memref<4194304xf32, #tpu.memory_space<hbm>> -> memref<8192xf32, #tpu.memory_space<hbm>>
        tpu.enqueue_dma source(%dma_start3A_161 : memref<8192xf32, #tpu.memory_space<hbm>>) target(%dma_start3A_160 : memref<8192xf32, #tpu.memory_space<vmem>>) target_semaphore(%dma_start3A_157 : memref<!tpu.dma_semaphore, #tpu.memory_space<semaphore_mem>>)
        %dma_start3A_162 = arith.constant 1 : i32
        %dma_start3A_163 = arith.constant 1 : i32
        %dma_start3A_164 = arith.constant 0 : i32
        %dma_start3A_165 = tpu.memref_slice %arg7[%dma_start3A_162, %dma_start3A_164] : memref<2x8192xf32, #tpu.memory_space<vmem>> -> memref<1x8192xf32, #tpu.memory_space<vmem>>
        %dma_start3A_166 = tpu.memref_squeeze %dma_start3A_165 : memref<1x8192xf32, #tpu.memory_space<vmem>> -> memref<8192xf32, #tpu.memory_space<vmem>>
        %dma_start3A_167 = tpu.memref_slice %arg3[%add3A_149] : memref<4194304xf32, #tpu.memory_space<hbm>> -> memref<8192xf32, #tpu.memory_space<hbm>>
        %dma_start3A_168 = tpu.memref_slice %arg10[%dma_start3A_163] : memref<2x!tpu.dma_semaphore, #tpu.memory_space<semaphore_mem>> -> memref<1x!tpu.dma_semaphore, #tpu.memory_space<semaphore_mem>>
        %dma_start3A_169 = tpu.memref_squeeze %dma_start3A_168 : memref<1x!tpu.dma_semaphore, #tpu.memory_space<semaphore_mem>> -> memref<!tpu.dma_semaphore, #tpu.memory_space<semaphore_mem>>
        %dma_start3A_170 = arith.constant 0 : i32
        %dma_start3A_171 = tpu.memref_slice %arg7[%dma_start3A_162, %dma_start3A_170] : memref<2x8192xf32, #tpu.memory_space<vmem>> -> memref<1x8192xf32, #tpu.memory_space<vmem>>
        %dma_start3A_172 = tpu.memref_squeeze %dma_start3A_171 : memref<1x8192xf32, #tpu.memory_space<vmem>> -> memref<8192xf32, #tpu.memory_space<vmem>>
        %dma_start3A_173 = tpu.memref_slice %arg3[%add3A_149] : memref<4194304xf32, #tpu.memory_space<hbm>> -> memref<8192xf32, #tpu.memory_space<hbm>>
        tpu.enqueue_dma source(%dma_start3A_173 : memref<8192xf32, #tpu.memory_space<hbm>>) target(%dma_start3A_172 : memref<8192xf32, #tpu.memory_space<vmem>>) target_semaphore(%dma_start3A_169 : memref<!tpu.dma_semaphore, #tpu.memory_space<semaphore_mem>>)
      } else {
      }
    }
    %scan3A_63 = arith.constant 8 : i32
    "tpu.region"() ({
      %run_scoped3A = tpu.sem_alloc : memref<!tpu.dma_semaphore, #tpu.memory_space<semaphore_mem>>
      %dma_start3A_64 = arith.constant 0 : i32
      %dma_start3A_65 = tpu.memref_slice %arg4[%add3A, %dma_start3A_64] : memref<32x40960xf32, #tpu.memory_space<hbm>> -> memref<1x40960xf32, #tpu.memory_space<hbm>>
      %dma_start3A_66 = tpu.memref_squeeze %dma_start3A_65 : memref<1x40960xf32, #tpu.memory_space<hbm>> -> memref<40960xf32, #tpu.memory_space<hbm>>
      %dma_start3A_67 = arith.constant 0 : i32
      %dma_start3A_68 = tpu.memref_slice %arg4[%add3A, %dma_start3A_67] : memref<32x40960xf32, #tpu.memory_space<hbm>> -> memref<1x40960xf32, #tpu.memory_space<hbm>>
      %dma_start3A_69 = tpu.memref_squeeze %dma_start3A_68 : memref<1x40960xf32, #tpu.memory_space<hbm>> -> memref<40960xf32, #tpu.memory_space<hbm>>
      tpu.enqueue_dma source(%arg8 : memref<40960xf32, #tpu.memory_space<vmem>>) target(%dma_start3A_69 : memref<40960xf32, #tpu.memory_space<hbm>>) target_semaphore(%run_scoped3A : memref<!tpu.dma_semaphore, #tpu.memory_space<semaphore_mem>>)
      %dma_wait3A = arith.constant 0 : i32
      %dma_wait3A_70 = tpu.memref_slice %arg4[%add3A, %dma_wait3A] : memref<32x40960xf32, #tpu.memory_space<hbm>> -> memref<1x40960xf32, #tpu.memory_space<hbm>>
      %dma_wait3A_71 = tpu.memref_squeeze %dma_wait3A_70 : memref<1x40960xf32, #tpu.memory_space<hbm>> -> memref<40960xf32, #tpu.memory_space<hbm>>
      %dma_wait3A_72 = arith.constant 0 : i32
      %dma_wait3A_73 = tpu.memref_slice %arg4[%add3A, %dma_wait3A_72] : memref<32x40960xf32, #tpu.memory_space<hbm>> -> memref<1x40960xf32, #tpu.memory_space<hbm>>
      %dma_wait3A_74 = tpu.memref_squeeze %dma_wait3A_73 : memref<1x40960xf32, #tpu.memory_space<hbm>> -> memref<40960xf32, #tpu.memory_space<hbm>>
      tpu.wait_dma2 semaphore(%run_scoped3A : memref<!tpu.dma_semaphore, #tpu.memory_space<semaphore_mem>>) src(%arg8 : memref<40960xf32, #tpu.memory_space<vmem>>) dst(%dma_wait3A_74 : memref<40960xf32, #tpu.memory_space<hbm>>)
      tpu.yield
    }) : () -> ()
    "tpu.region"() ({
      %run_scoped3A = tpu.sem_alloc : memref<!tpu.dma_semaphore, #tpu.memory_space<semaphore_mem>>
      %dma_start3A_64 = arith.constant 0 : i32
      %dma_start3A_65 = tpu.memref_slice %arg5[%add3A, %dma_start3A_64] : memref<32x40960xf32, #tpu.memory_space<hbm>> -> memref<1x40960xf32, #tpu.memory_space<hbm>>
      %dma_start3A_66 = tpu.memref_squeeze %dma_start3A_65 : memref<1x40960xf32, #tpu.memory_space<hbm>> -> memref<40960xf32, #tpu.memory_space<hbm>>
      %dma_start3A_67 = arith.constant 0 : i32
      %dma_start3A_68 = tpu.memref_slice %arg5[%add3A, %dma_start3A_67] : memref<32x40960xf32, #tpu.memory_space<hbm>> -> memref<1x40960xf32, #tpu.memory_space<hbm>>
      %dma_start3A_69 = tpu.memref_squeeze %dma_start3A_68 : memref<1x40960xf32, #tpu.memory_space<hbm>> -> memref<40960xf32, #tpu.memory_space<hbm>>
      tpu.enqueue_dma source(%arg9 : memref<40960xf32, #tpu.memory_space<vmem>>) target(%dma_start3A_69 : memref<40960xf32, #tpu.memory_space<hbm>>) target_semaphore(%run_scoped3A : memref<!tpu.dma_semaphore, #tpu.memory_space<semaphore_mem>>)
      %dma_wait3A = arith.constant 0 : i32
      %dma_wait3A_70 = tpu.memref_slice %arg5[%add3A, %dma_wait3A] : memref<32x40960xf32, #tpu.memory_space<hbm>> -> memref<1x40960xf32, #tpu.memory_space<hbm>>
      %dma_wait3A_71 = tpu.memref_squeeze %dma_wait3A_70 : memref<1x40960xf32, #tpu.memory_space<hbm>> -> memref<40960xf32, #tpu.memory_space<hbm>>
      %dma_wait3A_72 = arith.constant 0 : i32
      %dma_wait3A_73 = tpu.memref_slice %arg5[%add3A, %dma_wait3A_72] : memref<32x40960xf32, #tpu.memory_space<hbm>> -> memref<1x40960xf32, #tpu.memory_space<hbm>>
      %dma_wait3A_74 = tpu.memref_squeeze %dma_wait3A_73 : memref<1x40960xf32, #tpu.memory_space<hbm>> -> memref<40960xf32, #tpu.memory_space<hbm>>
      tpu.wait_dma2 semaphore(%run_scoped3A : memref<!tpu.dma_semaphore, #tpu.memory_space<semaphore_mem>>) src(%arg9 : memref<40960xf32, #tpu.memory_space<vmem>>) dst(%dma_wait3A_74 : memref<40960xf32, #tpu.memory_space<hbm>>)
      tpu.yield
    }) : () -> ()
    return
  }
}

module attributes {stable_mosaic.version = 14 : i64} {
  func.func @_tc_bce(%arg0: i32, %arg1: memref<1024x512xf32, #tpu.memory_space<vmem>>, %arg2: memref<1024x512xf32, #tpu.memory_space<vmem>>, %arg3: memref<1x1xf32, #tpu.memory_space<vmem>>) attributes {dimension_semantics = [#tpu.dimension_semantics<arbitrary>], iteration_bounds = array<i64: 8>, scalar_prefetch = 0 : i64, scratch_operands = 0 : i64, tpu.core_type = #tpu.core_type<tc>, window_params = [{transform_indices = @transform_0, window_bounds = array<i64: 1024, 512>}, {transform_indices = @transform_1, window_bounds = array<i64: 1024, 512>}, {pipeline_mode = #tpu.pipeline_mode<synchronous>, transform_indices = @transform_2, window_bounds = array<i64: 1, 1>}]} {
    %get3A = arith.constant 0 : index
    %get3A_0 = arith.constant 0 : index
    %get3A_1 = vector.load %arg1[%get3A, %get3A_0] : memref<1024x512xf32, #tpu.memory_space<vmem>>, vector<1024x512xf32>
    %get3A_2 = arith.constant 0 : index
    %get3A_3 = arith.constant 0 : index
    %get3A_4 = vector.load %arg2[%get3A_2, %get3A_3] : memref<1024x512xf32, #tpu.memory_space<vmem>>, vector<1024x512xf32>
    %max3A = arith.constant 0.000000e+00 : f32
    %max3A_5 = vector.broadcast %max3A : f32 to vector<1024x512xf32>
    %max3A_6 = arith.maximumf %get3A_1, %max3A_5 : vector<1024x512xf32>
    %mul3A = arith.mulf %get3A_1, %get3A_4 : vector<1024x512xf32>
    %sub3A = arith.subf %max3A_6, %mul3A : vector<1024x512xf32>
    %abs3A = math.absf %get3A_1 : vector<1024x512xf32>
    %neg3A = arith.constant 0.000000e+00 : f32
    %neg3A_7 = vector.broadcast %neg3A : f32 to vector<1024x512xf32>
    %neg3A_8 = arith.subf %neg3A_7, %abs3A : vector<1024x512xf32>
    %exp3A = math.exp %neg3A_8 : vector<1024x512xf32>
    %log1p3A = math.log1p %exp3A : vector<1024x512xf32>
    %add3A = arith.addf %sub3A, %log1p3A : vector<1024x512xf32>
    %reduce_sum3A = vector.shape_cast %add3A : vector<1024x512xf32> to vector<1x1024x512xf32>
    %reduce_sum3A_9 = arith.constant dense<0.000000e+00> : vector<1xf32>
    %reduce_sum3A_10 = vector.multi_reduction <add>, %reduce_sum3A, %reduce_sum3A_9 [1, 2] : vector<1x1024x512xf32> to vector<1xf32>
    %reduce_sum3A_11 = vector.shape_cast %reduce_sum3A_10 : vector<1xf32> to vector<1x1x1xf32>
    %reduce_sum3A_12 = vector.extract %reduce_sum3A_11[0, 0, 0] : f32 from vector<1x1x1xf32>
    %eq3A = arith.constant 0 : i32
    %eq3A_13 = arith.cmpi eq, %arg0, %eq3A : i32
    %convert_element_type3A = arith.extui %eq3A_13 : i1 to i32
    %cond3A = arith.constant 0 : i32
    %cond3A_14 = arith.cmpi ne, %convert_element_type3A, %cond3A : i32
    scf.if %cond3A_14 {
      %broadcast_in_dim3A_21 = arith.constant 0.000000e+00 : f32
      %broadcast_in_dim3A_22 = vector.broadcast %broadcast_in_dim3A_21 : f32 to vector<1x1xf32>
      %swap3A_23 = arith.constant 0 : index
      %swap3A_24 = arith.constant 0 : index
      %swap3A_25 = vector.load %arg3[%swap3A_23, %swap3A_24] : memref<1x1xf32, #tpu.memory_space<vmem>>, vector<1x1xf32>
      tpu.vector_store %arg3[%swap3A_23, %swap3A_24], %broadcast_in_dim3A_22 {strides = array<i32>} : memref<1x1xf32, #tpu.memory_space<vmem>>, vector<1x1xf32>,
    } else {
    }
    %get3A_15 = arith.constant 0 : index
    %get3A_16 = arith.constant 0 : index
    %get3A_17 = vector.load %arg3[%get3A_15, %get3A_16] : memref<1x1xf32, #tpu.memory_space<vmem>>, vector<1x1xf32>
    %broadcast_in_dim3A = vector.broadcast %reduce_sum3A_12 : f32 to vector<1x1xf32>
    %add3A_18 = arith.addf %get3A_17, %broadcast_in_dim3A : vector<1x1xf32>
    %swap3A = arith.constant 0 : index
    %swap3A_19 = arith.constant 0 : index
    %swap3A_20 = vector.load %arg3[%swap3A, %swap3A_19] : memref<1x1xf32, #tpu.memory_space<vmem>>, vector<1x1xf32>
    tpu.vector_store %arg3[%swap3A, %swap3A_19], %add3A_18 {strides = array<i32>} : memref<1x1xf32, #tpu.memory_space<vmem>>, vector<1x1xf32>,
    return
  }
  func.func @transform_0(%arg0: i32) -> (i32, i32) {
    %c0_i32 = arith.constant 0 : i32
    %c0_i32_0 = arith.constant 0 : i32
    return %arg0, %c0_i32 : i32, i32
  }
  func.func @transform_1(%arg0: i32) -> (i32, i32) {
    %c0_i32 = arith.constant 0 : i32
    %c0_i32_0 = arith.constant 0 : i32
    return %arg0, %c0_i32 : i32, i32
  }
  func.func @transform_2(%arg0: i32) -> (i32, i32) {
    %c0_i32 = arith.constant 0 : i32
    %c0_i32_0 = arith.constant 0 : i32
    %c0_i32_1 = arith.constant 0 : i32
    return %c0_i32, %c0_i32_0 : i32, i32
  }
}

module attributes {stable_mosaic.version = 14 : i64} {
  func.func @_tc_combine(%arg0: memref<32x320x128xf32, #tpu.memory_space<vmem>>, %arg1: memref<32x320x128xf32, #tpu.memory_space<vmem>>, %arg2: memref<1x1xf32, #tpu.memory_space<vmem>>, %arg3: memref<1x1xf32, #tpu.memory_space<vmem>>) attributes {dimension_semantics = [], scalar_prefetch = 0 : i64, scratch_operands = 0 : i64, tpu.core_type = #tpu.core_type<tc>} {
    %get3A = arith.constant 0 : index
    %get3A_0 = arith.constant 0 : index
    %get3A_1 = arith.constant 0 : index
    %get3A_2 = vector.load %arg0[%get3A, %get3A_0, %get3A_1] : memref<32x320x128xf32, #tpu.memory_space<vmem>>, vector<32x320x128xf32>
    %reduce_sum3A = arith.constant dense<0.000000e+00> : vector<320x128xf32>
    %reduce_sum3A_3 = vector.multi_reduction <add>, %get3A_2, %reduce_sum3A [0] : vector<32x320x128xf32> to vector<320x128xf32>
    %get3A_4 = arith.constant 0 : index
    %get3A_5 = arith.constant 0 : index
    %get3A_6 = arith.constant 0 : index
    %get3A_7 = vector.load %arg1[%get3A_4, %get3A_5, %get3A_6] : memref<32x320x128xf32, #tpu.memory_space<vmem>>, vector<32x320x128xf32>
    %reduce_sum3A_8 = arith.constant dense<0.000000e+00> : vector<320x128xf32>
    %reduce_sum3A_9 = vector.multi_reduction <add>, %get3A_7, %reduce_sum3A_8 [0] : vector<32x320x128xf32> to vector<320x128xf32>
    %slice3A = vector.extract_strided_slice %reduce_sum3A_3 {offsets = [0, 0], sizes = [160, 128], strides = [1, 1]} : vector<320x128xf32> to vector<160x128xf32>
    %slice3A_10 = vector.extract_strided_slice %reduce_sum3A_3 {offsets = [160, 0], sizes = [160, 128], strides = [1, 1]} : vector<320x128xf32> to vector<160x128xf32>
    %slice3A_11 = vector.extract_strided_slice %reduce_sum3A_9 {offsets = [0, 0], sizes = [160, 128], strides = [1, 1]} : vector<320x128xf32> to vector<160x128xf32>
    %slice3A_12 = vector.extract_strided_slice %reduce_sum3A_9 {offsets = [160, 0], sizes = [160, 128], strides = [1, 1]} : vector<320x128xf32> to vector<160x128xf32>
    %iota3A = tpu.iota {dimensions = array<i32: 0>} : vector<128x128xi32>
    %iota3A_13 = tpu.iota {dimensions = array<i32: 1>} : vector<128x128xi32>
    %le3A = arith.cmpi sle, %iota3A, %iota3A_13 : vector<128x128xi32>
    %convert_element_type3A = arith.extui %le3A : vector<128x128xi1> to vector<128x128xi32>
    %convert_element_type3A_14 = arith.sitofp %convert_element_type3A : vector<128x128xi32> to vector<128x128xf32>
    %iota3A_15 = tpu.iota {dimensions = array<i32: 0>} : vector<160x160xi32>
    %iota3A_16 = tpu.iota {dimensions = array<i32: 1>} : vector<160x160xi32>
    %lt3A = arith.cmpi slt, %iota3A_16, %iota3A_15 : vector<160x160xi32>
    %convert_element_type3A_17 = arith.extui %lt3A : vector<160x160xi1> to vector<160x160xi32>
    %convert_element_type3A_18 = arith.sitofp %convert_element_type3A_17 : vector<160x160xi32> to vector<160x160xf32>
    %reduce_sum3A_19 = vector.shape_cast %slice3A : vector<160x128xf32> to vector<1x160x128xf32>
    %reduce_sum3A_20 = arith.constant dense<0.000000e+00> : vector<1xf32>
    %reduce_sum3A_21 = vector.multi_reduction <add>, %reduce_sum3A_19, %reduce_sum3A_20 [1, 2] : vector<1x160x128xf32> to vector<1xf32>
    %reduce_sum3A_22 = vector.shape_cast %reduce_sum3A_21 : vector<1xf32> to vector<1x1x1xf32>
    %reduce_sum3A_23 = vector.extract %reduce_sum3A_22[0, 0, 0] : f32 from vector<1x1x1xf32>
    %dot_general3A = arith.constant dense<0.000000e+00> : vector<160x128xf32>
    %dot_general3A_24 = tpu.matmul %slice3A, %convert_element_type3A_14, %dot_general3A {dimension_numbers = #tpu.dot_dimension_numbers<[1], [0], [0], [1], [0, 0, 1, 1], [], []>, precision = #tpu.contract_precision<fp32>, transpose_lhs_hint = false} : vector<160x128xf32>, vector<128x128xf32>, vector<160x128xf32> -> vector<160x128xf32>
    %slice3A_25 = vector.extract_strided_slice %dot_general3A_24 {offsets = [0, 127], sizes = [160, 1], strides = [1, 1]} : vector<160x128xf32> to vector<160x1xf32>
    %dot_general3A_26 = arith.constant dense<0.000000e+00> : vector<160x1xf32>
    %dot_general3A_27 = tpu.matmul %convert_element_type3A_18, %slice3A_25, %dot_general3A_26 {dimension_numbers = #tpu.dot_dimension_numbers<[1], [0], [0], [1], [0, 0, 1, 1], [], []>, precision = #tpu.contract_precision<fp32>, transpose_lhs_hint = false} : vector<160x160xf32>, vector<160x1xf32>, vector<160x1xf32> -> vector<160x1xf32>
    %add3A = vector.broadcast %dot_general3A_27 : vector<160x1xf32> to vector<160x128xf32>
    %add3A_28 = arith.addf %dot_general3A_24, %add3A : vector<160x128xf32>
    %sub3A = vector.broadcast %reduce_sum3A_23 : f32 to vector<160x128xf32>
    %sub3A_29 = arith.subf %sub3A, %add3A_28 : vector<160x128xf32>
    %reduce_sum3A_30 = vector.shape_cast %slice3A_10 : vector<160x128xf32> to vector<1x160x128xf32>
    %reduce_sum3A_31 = arith.constant dense<0.000000e+00> : vector<1xf32>
    %reduce_sum3A_32 = vector.multi_reduction <add>, %reduce_sum3A_30, %reduce_sum3A_31 [1, 2] : vector<1x160x128xf32> to vector<1xf32>
    %reduce_sum3A_33 = vector.shape_cast %reduce_sum3A_32 : vector<1xf32> to vector<1x1x1xf32>
    %reduce_sum3A_34 = vector.extract %reduce_sum3A_33[0, 0, 0] : f32 from vector<1x1x1xf32>
    %dot_general3A_35 = arith.constant dense<0.000000e+00> : vector<160x128xf32>
    %dot_general3A_36 = tpu.matmul %slice3A_10, %convert_element_type3A_14, %dot_general3A_35 {dimension_numbers = #tpu.dot_dimension_numbers<[1], [0], [0], [1], [0, 0, 1, 1], [], []>, precision = #tpu.contract_precision<fp32>, transpose_lhs_hint = false} : vector<160x128xf32>, vector<128x128xf32>, vector<160x128xf32> -> vector<160x128xf32>
    %slice3A_37 = vector.extract_strided_slice %dot_general3A_36 {offsets = [0, 127], sizes = [160, 1], strides = [1, 1]} : vector<160x128xf32> to vector<160x1xf32>
    %dot_general3A_38 = arith.constant dense<0.000000e+00> : vector<160x1xf32>
    %dot_general3A_39 = tpu.matmul %convert_element_type3A_18, %slice3A_37, %dot_general3A_38 {dimension_numbers = #tpu.dot_dimension_numbers<[1], [0], [0], [1], [0, 0, 1, 1], [], []>, precision = #tpu.contract_precision<fp32>, transpose_lhs_hint = false} : vector<160x160xf32>, vector<160x1xf32>, vector<160x1xf32> -> vector<160x1xf32>
    %add3A_40 = vector.broadcast %dot_general3A_39 : vector<160x1xf32> to vector<160x128xf32>
    %add3A_41 = arith.addf %dot_general3A_36, %add3A_40 : vector<160x128xf32>
    %sub3A_42 = vector.broadcast %reduce_sum3A_34 : f32 to vector<160x128xf32>
    %sub3A_43 = arith.subf %sub3A_42, %add3A_41 : vector<160x128xf32>
    %reduce_sum3A_44 = vector.shape_cast %slice3A_10 : vector<160x128xf32> to vector<1x160x128xf32>
    %reduce_sum3A_45 = arith.constant dense<0.000000e+00> : vector<1xf32>
    %reduce_sum3A_46 = vector.multi_reduction <add>, %reduce_sum3A_44, %reduce_sum3A_45 [1, 2] : vector<1x160x128xf32> to vector<1xf32>
    %reduce_sum3A_47 = vector.shape_cast %reduce_sum3A_46 : vector<1xf32> to vector<1x1x1xf32>
    %reduce_sum3A_48 = vector.extract %reduce_sum3A_47[0, 0, 0] : f32 from vector<1x1x1xf32>
    %get3A_49 = arith.constant 0 : index
    %get3A_50 = arith.constant 0 : index
    %get3A_51 = vector.load %arg2[%get3A_49, %get3A_50] : memref<1x1xf32, #tpu.memory_space<vmem>>, vector<1x1xf32>
    %get3A_52 = vector.extract %get3A_51[0, 0] : f32 from vector<1x1xf32>
    %div3A = arith.constant 0x4A800000 : f32
    %div3A_53 = arith.divf %get3A_52, %div3A : f32
    %gt3A = arith.constant 0.000000e+00 : f32
    %gt3A_54 = vector.broadcast %gt3A : f32 to vector<160x128xf32>
    %gt3A_55 = arith.cmpf ogt, %slice3A, %gt3A_54 : vector<160x128xf32>
    %max3A = arith.constant 1.000000e+00 : f32
    %max3A_56 = vector.broadcast %max3A : f32 to vector<160x128xf32>
    %max3A_57 = arith.maximumf %slice3A, %max3A_56 : vector<160x128xf32>
    %div3A_58 = arith.divf %slice3A_11, %max3A_57 : vector<160x128xf32>
    %jit3A = arith.constant 0xFF800000 : f32
    %broadcast_in_dim3A = vector.broadcast %jit3A : f32 to vector<160x128xf32>
    %select_n3A = arith.select %gt3A_55, %div3A_58, %broadcast_in_dim3A : vector<160x128xi1>, vector<160x128xf32>
    %reduce_max3A = vector.shape_cast %select_n3A : vector<160x128xf32> to vector<1x160x128xf32>
    %reduce_max3A_59 = arith.constant dense<0xFF800000> : vector<1xf32>
    %reduce_max3A_60 = vector.multi_reduction <maximumf>, %reduce_max3A, %reduce_max3A_59 [1, 2] : vector<1x160x128xf32> to vector<1xf32>
    %reduce_max3A_61 = vector.shape_cast %reduce_max3A_60 : vector<1xf32> to vector<1x1x1xf32>
    %reduce_max3A_62 = vector.extract %reduce_max3A_61[0, 0, 0] : f32 from vector<1x1x1xf32>
    %add3A_63 = vector.broadcast %reduce_sum3A_48 : f32 to vector<160x128xf32>
    %add3A_64 = arith.addf %add3A_63, %sub3A_29 : vector<160x128xf32>
    %div3A_65 = arith.divf %slice3A_12, %add3A_64 : vector<160x128xf32>
    %reduce_sum3A_66 = vector.shape_cast %div3A_65 : vector<160x128xf32> to vector<1x160x128xf32>
    %reduce_sum3A_67 = arith.constant dense<0.000000e+00> : vector<1xf32>
    %reduce_sum3A_68 = vector.multi_reduction <add>, %reduce_sum3A_66, %reduce_sum3A_67 [1, 2] : vector<1x160x128xf32> to vector<1xf32>
    %reduce_sum3A_69 = vector.shape_cast %reduce_sum3A_68 : vector<1xf32> to vector<1x1x1xf32>
    %reduce_sum3A_70 = vector.extract %reduce_sum3A_69[0, 0, 0] : f32 from vector<1x1x1xf32>
    %sub3A_71 = vector.broadcast %reduce_sum3A_48 : f32 to vector<160x128xf32>
    %sub3A_72 = arith.subf %sub3A_71, %sub3A_43 : vector<160x128xf32>
    %sub3A_73 = arith.subf %sub3A_72, %slice3A_10 : vector<160x128xf32>
    %mul3A = arith.mulf %slice3A_11, %sub3A_73 : vector<160x128xf32>
    %add3A_74 = vector.broadcast %reduce_sum3A_48 : f32 to vector<160x128xf32>
    %add3A_75 = arith.addf %add3A_74, %sub3A_29 : vector<160x128xf32>
    %add3A_76 = vector.broadcast %reduce_sum3A_48 : f32 to vector<160x128xf32>
    %add3A_77 = arith.addf %add3A_76, %sub3A_29 : vector<160x128xf32>
    %add3A_78 = arith.addf %add3A_77, %slice3A : vector<160x128xf32>
    %mul3A_79 = arith.mulf %add3A_75, %add3A_78 : vector<160x128xf32>
    %div3A_80 = arith.divf %mul3A, %mul3A_79 : vector<160x128xf32>
    %reduce_sum3A_81 = vector.shape_cast %div3A_80 : vector<160x128xf32> to vector<1x160x128xf32>
    %reduce_sum3A_82 = arith.constant dense<0.000000e+00> : vector<1xf32>
    %reduce_sum3A_83 = vector.multi_reduction <add>, %reduce_sum3A_81, %reduce_sum3A_82 [1, 2] : vector<1x160x128xf32> to vector<1xf32>
    %reduce_sum3A_84 = vector.shape_cast %reduce_sum3A_83 : vector<1xf32> to vector<1x1x1xf32>
    %reduce_sum3A_85 = vector.extract %reduce_sum3A_84[0, 0, 0] : f32 from vector<1x1x1xf32>
    %eq3A = arith.constant 0.000000e+00 : f32
    %eq3A_86 = arith.cmpf oeq, %reduce_sum3A_48, %eq3A : f32
    %max3A_87 = arith.constant 0.000000e+00 : f32
    %max3A_88 = arith.maximumf %reduce_max3A_62, %max3A_87 : f32
    %add3A_89 = arith.addf %reduce_sum3A_70, %reduce_sum3A_85 : f32
    %select_n3A_90 = arith.select %eq3A_86, %max3A_88, %add3A_89 : f32
    %mul3A_91 = arith.constant 4.000000e-01 : f32
    %mul3A_92 = arith.mulf %mul3A_91, %div3A_53 : f32
    %mul3A_93 = arith.constant 2.000000e-01 : f32
    %mul3A_94 = arith.mulf %mul3A_93, %select_n3A_90 : f32
    %add3A_95 = arith.addf %mul3A_92, %mul3A_94 : f32
    %broadcast_in_dim3A_96 = vector.broadcast %add3A_95 : f32 to vector<1x1xf32>
    %swap3A = arith.constant 0 : index
    %swap3A_97 = arith.constant 0 : index
    %swap3A_98 = vector.load %arg3[%swap3A, %swap3A_97] : memref<1x1xf32, #tpu.memory_space<vmem>>, vector<1x1xf32>
    tpu.vector_store %arg3[%swap3A, %swap3A_97], %broadcast_in_dim3A_96 {strides = array<i32>} : memref<1x1xf32, #tpu.memory_space<vmem>>, vector<1x1xf32>,
    return
  }
}

</mosaic_0001>

<sc_bundles>
// kernel: kernel.5.cloned.1.call-start
scs
__scs_entry_jumppad:
0x0: {  	(pc) =	sbr.rel $0x88, $3  }
0x1: {  	(tag) =	ssettag $0x0;
	lr =	simm.s32 $0x1  }
0x2: {  	[smem:$0x3F9F] =	sst lr;
	_ =	strace $0xD0000000  }
0x3: {  	_ = 	snop  }
0x4: {  	_ = 	snop  }
0x5: {  	_ = 	snop  }
0x6: {  	_ = 	snop  }
0x7: {  	_ = 	snop  }
__scs_overlays_trampoline_lowered:
0x8: {  	[smem:$0x3FAE] =	sst s0  }
0x9: {  	[smem:$0x3FAF] =	sst s1  }
0xa: {  	[smem:$0x3FB0] =	sst s2  }
0xb: {  	[smem:$0x3FB1] =	sst s3  }
0xc: {  	[smem:$0x3FB2] =	sst s4  }
0xd: {  	[smem:$0x3FB3] =	sst s5  }
0xe: {  	[smem:$0x3FB4] =	sst s6  }
0xf: {  	[smem:$0x3FB5] =	sst s7  }
0x10: {  	[smem:$0x3FB6] =	sst s8  }
0x11: {  	[smem:$0x3FB7] =	sst s9;
	s0 =	simm.s32 @!p0 $0x0  }
0x12: {  	s1 =	sld [smem:$0x3F9D];
	s0 =	simm.s32 @p0 $0x1  }
0x13: {  	[smem:$0x3FB8] =	sst s0;
	s0 =	simm.s32 @!p1 $0x0  }
0x14: {  	s2 =	sld [smem:$0x3F9C];
	s0 =	simm.s32 @p1 $0x1  }
0x15: {  	[smem:$0x3FB9] =	sst s0;
	s0 =	simm.s32 @!p2 $0x0  }
0x16: {  	s3 =	sld [smem:$0x3FDB];
	s0 =	simm.s32 @p2 $0x1  }
0x17: {  	s4 =	simm.s32 $0x1BF5;
	[smem:$0x3FBB] =	sst s0  }
0x18: {  	s0 =	sld [smem:$0x3F9E];
	_ =	swait.ge [sflag:s4], $0x0  }
0x19: {  	s7 =	sld [smem:$0x3F9F]  }
0x1a: {  	s8 =	sadd.s32 $0xFFFFE003, lr  }
0x1b: {  	s9 =	sadd.s32 $0xFFFFFEF7, lr;
	s5 =	simm.s32 $0xFFFFFFFF;
	p2 =	slt.u32 s8, $0xFFFFF086  }
0x1c: {  	p1 =	slt.u32 s9, $0xF7A;
	s5 =	simm.s32 @!p2 $0x0  }
0x1d: {  	s5 =	simm.s32 @p1 $0x1;
	p0 =	seq.s32 s7, s2  }
0x1e: {  	s7 =	smul.u32 @!p0 $0xF7A, s2;
	p2 =	seq.s32 @!p0 s5, $0x0  }
0x1f: {  	s9 =	smul.u32 $0xF7A, s1;
	s8 =	simm.s32 @!p0 $0x1BF5;
	p2 =	por !p2, p0  }
0x20: {  	[sflag:s8] =	ssyncset.s32 @!p0 $0xFFFFF086;
	s6 =	sadd.s32 @!p0 s3, s7;
	s7 =	simm.s32 @!p0 $0x108  }
0x21: {  	s3 =	sadd.s32 s3, s9;
	s6 =	sadd.s32 @!p0 $0x88, s6;
	s7 =	simm.s32 @p2 $0x1082  }
0x22: {  	[simem:s7], [sflag:s8] =	dma.local @!p0 [hbm:s6], $0xF7A  }
0x23: {  	s9 =	sor.u32 $0xD0000000, s2;
	s6 =	simm.s32 $0x108;
	_ =	swait.ge @!p0 [sflag:s8], $0x0  }
0x24: {  	s3 =	sadd.s32 $0x88, s3;
	s6 =	simm.s32 @!p1 $0x1082;
	[sflag:s4] =	ssyncset.s32 $0xFFFFF086  }
0x25: {  	[simem:s6], [sflag:s4] =	dma.local [hbm:s3], $0xF7A  }
0x26: {  	[smem:$0x3F9F] =	sst s1;
	(tag) =	ssettag s2;
	_ =	strace s9  }
0x27: {  	s1 =	sld [smem:$0x3FAF]  }
0x28: {  	s2 =	sld [smem:$0x3FB0]  }
0x29: {  	s4 =	sld [smem:$0x3FB2]  }
0x2a: {  	p0 =	seq.s32 s5, $0x0;
	s5 =	sld [smem:$0x3FB3]  }
0x2b: {  	s6 =	sld [smem:$0x3FB4]  }
0x2c: {  	s7 =	sld [smem:$0x3FB5]  }
0x2d: {  	s3 =	simm.s32 $0x108;
	s8 =	sld [smem:$0x3FB6]  }
0x2e: {  	s3 =	simm.s32 @!p0 $0x1082;
	s9 =	sld [smem:$0x3FB7]  }
0x2f: {  	lr =	sadd.s32 s0, s3;
	s0 =	sld [smem:$0x3FAE]  }
0x30: {  	s3 =	sld [smem:$0x3FB1]  }
0x31: {  	[smem:$0x3FBA] =	sst s10  }
0x32: {  	s10 =	sld [smem:$0x3FB8];
	_ =	sdelay $0x3  }
0x33: {  	p0 =	seq.s32 s10, $0x1;
	s10 =	sld [smem:$0x3FBA];
	_ =	sdelay $0x3  }
0x34: {  	[smem:$0x3FBA] =	sst s10  }
0x35: {  	s10 =	sld [smem:$0x3FB9];
	_ =	sdelay $0x3  }
0x36: {  	p1 =	seq.s32 s10, $0x1;
	s10 =	sld [smem:$0x3FBA];
	_ =	sdelay $0x3  }
0x37: {  	[smem:$0x3FBA] =	sst s10  }
0x38: {  	s10 =	sld [smem:$0x3FBB]  }
0x39: {  	_ = 	snop;
	(pc) =	sbr.ind lr, $3  }
0x3a: {  	_ = 	snop  }
0x3b: {  	_ = 	snop  }
0x3c: {  	p2 =	seq.s32 s10, $0x1;
	s10 =	sld [smem:$0x3FBA]  }
0x3d: {  	_ =	shalt  }
0x3e: {  	_ =	shalt  }
0x3f: {  	_ =	shalt  }
0x40: {  	_ =	shalt  }
0x41: {  	_ =	shalt  }
0x42: {  	_ =	shalt  }
0x43: {  	_ =	shalt  }
0x44: {  	_ =	shalt  }
0x45: {  	_ =	shalt  }
0x46: {  	_ =	shalt  }
0x47: {  	_ =	shalt  }
0x48: {  	_ =	shalt  }
0x49: {  	_ =	shalt  }
0x4a: {  	_ =	shalt  }
0x4b: {  	_ =	shalt  }
0x4c: {  	_ =	shalt  }
0x4d: {  	_ =	shalt  }
0x4e: {  	_ =	shalt  }
0x4f: {  	_ =	shalt  }
0x50: {  	_ =	shalt  }
0x51: {  	_ =	shalt  }
0x52: {  	_ =	shalt  }
0x53: {  	_ =	shalt  }
0x54: {  	_ =	shalt  }
0x55: {  	_ =	shalt  }
0x56: {  	_ =	shalt  }
0x57: {  	_ =	shalt  }
0x58: {  	_ =	shalt  }
0x59: {  	_ =	shalt  }
0x5a: {  	_ =	shalt  }
0x5b: {  	_ =	shalt  }
0x5c: {  	_ =	shalt  }
0x5d: {  	_ =	shalt  }
0x5e: {  	_ =	shalt  }
0x5f: {  	_ =	shalt  }
0x60: {  	_ =	shalt  }
0x61: {  	_ =	shalt  }
0x62: {  	_ =	shalt  }
0x63: {  	_ =	shalt  }
0x64: {  	_ =	shalt  }
0x65: {  	_ =	shalt  }
0x66: {  	_ =	shalt  }
0x67: {  	_ =	shalt  }
0x68: {  	_ =	shalt  }
0x69: {  	_ =	shalt  }
0x6a: {  	_ =	shalt  }
0x6b: {  	_ =	shalt  }
0x6c: {  	_ =	shalt  }
0x6d: {  	_ =	shalt  }
0x6e: {  	_ =	shalt  }
0x6f: {  	_ =	shalt  }
0x70: {  	_ =	shalt  }
0x71: {  	_ =	shalt  }
0x72: {  	_ =	shalt  }
0x73: {  	_ =	shalt  }
0x74: {  	_ =	shalt  }
0x75: {  	_ =	shalt  }
0x76: {  	_ =	shalt  }
0x77: {  	_ =	shalt  }
0x78: {  	_ =	shalt  }
0x79: {  	_ =	shalt  }
0x7a: {  	_ =	shalt  }
0x7b: {  	_ =	shalt  }
0x7c: {  	_ =	shalt  }
0x7d: {  	_ =	shalt  }
0x7e: {  	_ =	shalt  }
0x7f: {  	_ =	shalt  }
0x80: {  	_ =	shalt  }
0x81: {  	_ =	shalt  }
0x82: {  	_ =	shalt  }
0x83: {  	_ =	shalt  }
0x84: {  	_ =	shalt  }
0x85: {  	_ =	shalt  }
0x86: {  	_ =	shalt  }
0x87: {  	_ =	shalt  }
.Lfunc_end0:
.L_simem_size_0:
called_computation_lowered:
.L_overlay_start_0:
0x88: {  	s2 =	sld [smem:$0x3FD9]  }
0x89: {  	s3 =	sld [smem:$0x3FFE];
	_ =	sdelay $0x1  }
0x8a: {  	s1 =	srdreg.scid  }
0x8b: {  	s0 =	sand.u32 $0x1, s1  }
0x8c: {  	s16 =	sshll.u32 s0, $0xA;
	s2 =	sadd.s32 s3, s2  }
0x8d: {  	s2 =	sadd.s32 s2, s16  }
0x8e: {  	[smem:$0x3FC6] =	sst s2  }
0x8f: {  	_ = 	snop  }
0x90: {  	(tm) =	ssettm $0x1  }
0x91: {  	s17 =	sld [smem:$0x3FFB];
	_ =	sdelay $0x3  }
0x92: {  	_ =	strace s17  }
0x93: {  	s2 =	sld [smem:$0x3FFC];
	_ =	sdelay $0x3  }
0x94: {  	_ =	strace s2  }
0x95: {  	s2 =	sld [smem:$0x3FFD];
	_ =	sdelay $0x3  }
0x96: {  	_ =	strace s2  }
0x97: {  	_ =	strace $0x8FFFFFFF  }
0x98: {  	s18 =	sld [smem:$0x3FDB];
	_ =	sdelay $0x1  }
0x99: {  	s19 =	simm.s32 $_scs_section_size  }
0x9a: {  	s4 =	simm.s32 $_size__tile_overlayer_lowered;
	s5 =	simm.s32 $_tile_overlayer_lowered  }
0x9b: {  	s22 =	simm.s32 $0x1BFF;
	s21 =	sshll.u32 s5, $0x1;
	s2 =	sadd.s32 s19, s18  }
0x9c: {  	s6 =	simm.s32 $0x0;
	s20 =	sshll.u32 s4, $0x1;
	s4 =	sadd.s32 s21, s2  }
0x9d: {  	[timem:s6], [sflag:s22] =	dma.local [hbm:s4], s20  }
0x9e: {  	_ =	swait.ge [sflag:s22], s20  }
0x9f: {  	s3 =	ssub.s32 $0x0, s20;
	[sflag:s22] =	ssyncset.done $0x0  }
0xa0: {  	[sflag:s22] =	ssyncadd.s32 s3;
	_ =	sdelay $0x1  }
0xa1: {  	s23 =	simm.s32 $0x1B8B  }
0xa2: {  	_ =	swait.ge [sflag:s23], $0x1  }
0xa3: {  	[sflag:s23] =	ssyncset.done $0x0  }
0xa4: {  	s25 =	simm.s32 $0x1B8E;
	s24 =	sld [smem:$0x3FFE];
	[sflag:s23] =	ssyncadd.s32 $0xFFFFFFFF  }
0xa5: {  	s26 =	simm.s32 $execute0_lowered;
	[smem:$0x3FD2] =	sst s25  }
0xa6: {  	s4 =	sshll.u32 s26, $0x1;
	_ =	strace $0x80000046;
	[dreg:$0x1] =	wrdreg $0xFFFFFFFF  }
0xa7: {  	s28 =	simm.s32 $_size_execute0_lowered;
	s2 =	sadd.s32 s2, s4;
	[dreg:$0x0] =	wrdreg $0x0  }
0xa8: {  	s4 =	sshll.u32 s28, $0x1;
	[dreg:$0x2] =	wrdreg s2  }
0xa9: {  	[dreg:$0x3] =	wrdreg s4  }
0xaa: {  	[dreg:$0x4] =	wrdreg $0xC0  }
0xab: {  	_ =	task [dreg:s6], $0x5FFFF  }
0xac: {  	[dreg:$0x1] =	wrdreg $0xFFFFFFFF  }
0xad: {  	[dreg:$0x0] =	wrdreg $0x60  }
0xae: {  	[dreg:$0x2] =	wrdreg s24  }
0xaf: {  	[dreg:$0x3] =	wrdreg $0x9  }
0xb0: {  	_ =	task.clear_ibuf [dreg:s6], $0x4FFFF;
	_ =	strace $0x90000046  }
0xb1: {  	s29 =	simm.s32 $0x9;
	_ =	strace $0x80000048  }
0xb2: {  	_ =	swait.ge [sflag:s29], $0x1  }
0xb3: {  	[sflag:s29] =	ssyncadd.s32 $0xFFFFFFFF  }
0xb4: {  	_ =	strace $0x90000048  }
0xb5: {  	_ =	sfence  }
0xb6: {  	s30 =	sld [smem:$0x0];
	_ =	sdelay $0x2  }
0xb7: {  	s31 =	sshll.u32 s1, $0xD;
	s1 =	sshrl.u32 s1, $0x2  }
0xb8: {  	s3 =	sand.u32 $0x4000, s31;
	s1 =	sadd.s32 s1, s30  }
0xb9: {  	s0 =	sor.u32 s3, s0;
	s1 =	sshll.u32 s1, $0x11  }
0xba: {  	s0 =	sor.u32 s1, s0  }
0xbb: {  	s0 =	sadd.s32 $0x8F2B, s0  }
0xbc: {  	[sflag:s0] =	ssyncadd.remote.s32 $0x1  }
0xbd: {  	_ =	sfence.sel $0xFFFF  }
0xbe: {  	[dreg:$0x0] =	wrdreg $0xFFFFFFFF;
	(pc) =	sbr.abs _section_cstart, $3  }
0xbf: {  	[dreg:$0x1] =	wrdreg $0xFFFFFFFF  }
0xc0: {  	_ =	task.clear_ibuf [dreg:s6], $0x2FFFF;
	_ =	strace $0x9FFFFFFF  }
0xc1: {  	(tm) =	ssettm $0x7FFFFFFF  }
tec
execute0_lowered:
.L_overlay_start_1:
0x0: {  	(tag) =	ssettag $0x1  }
0x1: {  	s1 =	srdreg.scid  }
0x2: {  	s0 =	stileid.u32;
	s5 =	rddreg [dreg:$0x0];
	s14 =	simm.s32 $0x1  }
0x3: {  	s15 =	simm.s32 $0x8000;
	s16 =	simm.s32 $0x12000;
	s17 =	simm.s32 $0x2  }
0x4: {  	s18 =	simm.s32 $0x80;
	s19 =	simm.s32 $0x400;
	s20 =	simm.s32 $0x3  }
0x5: {  	s21 =	simm.s32 $0x0;
	s4 =	sand.u32 $0x1, s1;
	s2 =	sshll.u32 s0, $0x1  }
0x6: {  	s1 =	rddreg [dreg:$0x1];
	s3 =	sshrl.u32 s0, $0x2;
	s6 =	sor.u32 s4, s2  }
0x7: {  	s2 =	simm.s32 $0x0;
	s3 =	smul.u32 $0x50000, s3;
	s8 =	ssub.s32 $0x2, s4  }
0x8: {  	s4 =	sadd.s32 $0x81A00, s5;
	s7 =	sshll.u32 s6, $0x7;
	[smem:$0x7FF] =	sst s2  }
0x9: {  	s30 =	sshrl.u32 s8, $0x1;
	s9 =	sshll.u32 s6, $0x11;
	s31 =	sshll.u32 s6, $0xE  }
0xa: {  	s7 =	sand.u32 $0x380, s7;
	_ =	strace $0x80000047;
	s13 =	ssub.s32 s8, s30  }
.Ltmp0:
0xb: {  	s6 =	sadd.s32 s4, s31;
	s10 =	sor.u32 $0x400, s31;
	(pc) =	sbr.rel .LBB2_1-.Ltmp0, $4  }
0xc: {  	s8 =	sor.u32 $0x4000, s9;
	s9 =	sor.u32 $0x6000, s9;
	s7 =	sor.u32 s3, s7  }
0xd: {  	s3 =	sadd.s32 $0x1A00, s5;
	s13 =	smax.u32 s13, $0x1;
	s7 =	sshrl.u32 s7, $0x3  }
0xe: {  	s12 =	sadd.s32 s7, s5;
	s5 =	sadd.s32 s3, s31;
	s7 =	sadd.s32 s3, s10  }
0xf: {  	v0 =	vimm.f32 $0.0e+00;
	v1 =	vimm.f32 $1.000000000e+00;
	v2 =	vimm.s32 $0xFFFE2C00;
	s10 =	sadd.s32 s4, s10;
	s11 =	sadd.s32 $0x129A00, s12;
	s12 =	sadd.s32 $0x101A00, s12  }
.LBB2_28:
0x10: {  	[hbm4b:s11+s18] =	stream.strided.scatter [tilespmem:s15], [sflag:$0x3], $0xA000, s19, s18, $0x38;
	[tilespmem:$0x1C000] =	vst v63  }
0x11: {  	s21 =	sadd.s32 $0x1, s21;
	_ =	swait.ge [sflag:s20], $0xA000  }
0x12: {  	p0 =	sne.s32 s21, s13;
	[sflag:s20] =	ssyncset.done $0x0  }
.Ltmp1:
0x13: {  	[sflag:s20] =	ssyncadd.s32 $0xFFFF6000;
	(pc) =	sbr.rel @!p0 .LBB2_29-.Ltmp1, $4  }
0x14: {  	[hbm4b:s12+s18] =	stream.strided.scatter [tilespmem:s16], [sflag:$0x3], $0xA000, s19, s18, $0x38;
	[tilespmem:$0x1C000] =	vst v63  }
0x15: {  	_ =	swait.ge [sflag:s20], $0xA000  }
0x16: {  	[sflag:s20] =	ssyncset.done $0x0  }
0x17: {  	[sflag:s20] =	ssyncadd.s32 $0xFFFF6000  }
.LBB2_1:
0x18: {  	s22 =	simm.s32 $0x10  }
0x19: {  	s25 =	sadd.s32 $0x0, s5;
	s23 =	simm.s32 $0x100;
	s24 =	simm.s32 $0x0  }
.LBB2_2:
0x1a: {  	[tilespmem:s24], [sflag:$0x1] =	stream.linear.gather [hbm4b:s25+s2], $0x80, $0x38;
	[tilespmem:$0x1C000] =	vst v63  }
0x1b: {  	s25 =	smov.u32 s22;
	s24 =	smov.u32 s23;
	p0 =	sne.s32 s22, $0x3F0  }
.Ltmp2:
0x1c: {  	s22 =	sadd.s32 $0x10, s22;
	(pc) =	sbr.rel @p0 .LBB2_2-.Ltmp2, $2  }
0x1d: {  	_ =	sdelay $0x2  }
0x1e: {  	s23 =	sadd.s32 $0x100, s23;
	s25 =	sadd.s32 s25, s5  }
0x1f: {  	[tilespmem:s24], [sflag:$0x1] =	stream.linear.gather [hbm4b:s25+s2], $0x80, $0x38;
	[tilespmem:$0x1C000] =	vst v63  }
0x20: {  	s22 =	simm.s32 $0x4000  }
0x21: {  	s23 =	simm.s32 $0x10;
	s25 =	sadd.s32 $0x0, s6;
	s24 =	simm.s32 $0x4100  }
.LBB2_4:
0x22: {  	[tilespmem:s22], [sflag:$0x1] =	stream.linear.gather [hbm4b:s25+s2], $0x80, $0x38;
	[tilespmem:$0x1C000] =	vst v63  }
0x23: {  	s25 =	smov.u32 s23;
	s22 =	smov.u32 s24;
	p0 =	sne.s32 s23, $0x3F0  }
.Ltmp3:
0x24: {  	s23 =	sadd.s32 $0x10, s23;
	(pc) =	sbr.rel @p0 .LBB2_4-.Ltmp3, $2  }
0x25: {  	_ =	sdelay $0x2  }
0x26: {  	s24 =	sadd.s32 $0x100, s24;
	s25 =	sadd.s32 s25, s6  }
0x27: {  	[tilespmem:s22], [sflag:$0x1] =	stream.linear.gather [hbm4b:s25+s2], $0x80, $0x38;
	[tilespmem:$0x1C000] =	vst v63  }
0x28: {  	s22 =	simm.s32 $0x80  }
0x29: {  	s23 =	simm.s32 $0x10;
	s25 =	sadd.s32 $0x0, s7;
	s24 =	simm.s32 $0x180  }
.LBB2_6:
0x2a: {  	[tilespmem:s22], [sflag:$0x2] =	stream.linear.gather [hbm4b:s25+s2], $0x80, $0x38;
	[tilespmem:$0x1C000] =	vst v63  }
0x2b: {  	s25 =	smov.u32 s23;
	s22 =	smov.u32 s24;
	p0 =	sne.s32 s23, $0x3F0  }
.Ltmp4:
0x2c: {  	s23 =	sadd.s32 $0x10, s23;
	(pc) =	sbr.rel @p0 .LBB2_6-.Ltmp4, $2  }
0x2d: {  	_ =	sdelay $0x2  }
0x2e: {  	s24 =	sadd.s32 $0x100, s24;
	s25 =	sadd.s32 s25, s7  }
0x2f: {  	[tilespmem:s22], [sflag:$0x2] =	stream.linear.gather [hbm4b:s25+s2], $0x80, $0x38;
	[tilespmem:$0x1C000] =	vst v63  }
0x30: {  	s22 =	simm.s32 $0x0;
	s23 =	simm.s32 $0x4080  }
.LBB2_8:
0x31: {  	p0 =	sne.s32 s22, $0x3F0  }
.Ltmp5:
0x32: {  	_ = 	snop;
	(pc) =	sbr.rel @p0 .LBB2_8-.Ltmp5, $4  }
0x33: {  	_ = 	snop  }
0x34: {  	s24 =	sadd.s32 s22, s10  }
0x35: {  	[tilespmem:s23], [sflag:$0x2] =	stream.linear.gather [hbm4b:s24+s2], $0x80, $0x38;
	[tilespmem:$0x1C000] =	vst v63  }
0x36: {  	s22 =	sadd.s32 $0x10, s22;
	s23 =	sadd.s32 $0x100, s23  }
0x37: {  	s23 =	simm.s32 $0x8040  }
0x38: {  	[tilespmem:s23+$0x30] =	vst v0  }
0x39: {  	[tilespmem:s23+$0xFFFFFFF0] =	vst v0  }
0x3a: {  	[tilespmem:s23+$0xFFFFFFC0] =	vst v0  }
0x3b: {  	[tilespmem:s23+$0xFFFFFFE0] =	vst v0  }
0x3c: {  	[tilespmem:s23+$0x10] =	vst v0  }
0x3d: {  	[tilespmem:s23+$0x20] =	vst v0  }
0x3e: {  	[tilespmem:s23+$0x0] =	vst v0  }
0x3f: {  	s24 =	simm.s32 $0x12040;
	[tilespmem:s23+$0xFFFFFFD0] =	vst v0  }
0x40: {  	[tilespmem:s24+$0xFFFFFFC0] =	vst v0  }
0x41: {  	[tilespmem:s24+$0x30] =	vst v0  }
0x42: {  	[tilespmem:s24+$0x20] =	vst v0  }
0x43: {  	[tilespmem:s24+$0x10] =	vst v0  }
0x44: {  	[tilespmem:s24+$0xFFFFFFE0] =	vst v0  }
0x45: {  	[tilespmem:s24+$0x0] =	vst v0  }
0x46: {  	s25 =	simm.s32 $0x0;
	[tilespmem:s24+$0xFFFFFFF0] =	vst v0  }
.LBB2_10:
0x47: {  	s25 =	sadd.s32 $0x80, s25;
	[tilespmem:s24+$0xFFFFFFD0] =	vst v0;
	s23 =	sadd.s32 $0x80, s23;
	s24 =	sadd.s32 $0x80, s24  }
0x48: {  	[tilespmem:s23+$0x30] =	vst v0;
	p0 =	slt.u32 s25, $0x9F80  }
0x49: {  	[tilespmem:s23+$0xFFFFFFF0] =	vst v0  }
0x4a: {  	[tilespmem:s23+$0xFFFFFFC0] =	vst v0  }
0x4b: {  	[tilespmem:s24+$0xFFFFFFC0] =	vst v0  }
0x4c: {  	[tilespmem:s24+$0x30] =	vst v0  }
0x4d: {  	[tilespmem:s23+$0xFFFFFFE0] =	vst v0  }
0x4e: {  	[tilespmem:s23+$0x10] =	vst v0  }
0x4f: {  	[tilespmem:s23+$0x20] =	vst v0  }
0x50: {  	[tilespmem:s24+$0x20] =	vst v0  }
0x51: {  	[tilespmem:s24+$0x10] =	vst v0  }
.Ltmp6:
0x52: {  	[tilespmem:s24+$0xFFFFFFE0] =	vst v0;
	(pc) =	sbr.rel @p0 .LBB2_10-.Ltmp6, $4  }
0x53: {  	[tilespmem:s23+$0x0] =	vst v0  }
0x54: {  	[tilespmem:s24+$0x0] =	vst v0  }
0x55: {  	[tilespmem:s24+$0xFFFFFFF0] =	vst v0  }
0x56: {  	s22 =	simm.s32 $0x0;
	[tilespmem:s23+$0xFFFFFFD0] =	vst v0  }
0x57: {  	[tilespmem:s24+$0xFFFFFFD0] =	vst v0  }
.LBB2_12:
0x58: {  	_ =	swait.ge [sflag:s14], $0x2000  }
0x59: {  	[sflag:s14] =	ssyncset.done $0x0  }
0x5a: {  	[sflag:s14] =	ssyncadd.s32 $0xFFFFE000  }
0x5b: {  	_ =	swait.ge [sflag:s14], $0x2000  }
0x5c: {  	[sflag:s14] =	ssyncset.done $0x0  }
0x5d: {  	s24 =	simm.s32 $0x40;
	[sflag:s14] =	ssyncadd.s32 $0xFFFFE000  }
0x5e: {  	s23 =	simm.s32 $0x4040;
	v3 =	vld [tilespmem:s24+$0x30]  }
0x5f: {  	v4 =	vld [tilespmem:s23+$0x30]  }
0x60: {  	v5 =	vld [tilespmem:s23+$0xFFFFFFC0]  }
0x61: {  	v7 =	vld [tilespmem:s23+$0xFFFFFFD0]  }
0x62: {  	v9 =	vld [tilespmem:s23+$0xFFFFFFE0]  }
0x63: {  	v10 =	vld [tilespmem:s24+$0xFFFFFFF0]  }
0x64: {  	v15 =	vld [tilespmem:s23+$0x10]  }
0x65: {  	v18 =	vld [tilespmem:s23+$0x20]  }
0x66: {  	v6 =	vld [tilespmem:s24+$0xFFFFFFD0]  }
0x67: {  	vm3 =	veq.f32 v4, $0.0e+00;
	v4 =	vxor.u32 $0x80000000, v3  }
0x68: {  	v8 =	vld [tilespmem:s24+$0xFFFFFFE0];
	vm9 =	veq.f32 v5, $0.0e+00;
	vm1 =	veq.f32 v7, $0.0e+00;
	vm2 =	veq.f32 v9, $0.0e+00  }
0x69: {  	v14 =	vxor.u32 $0x80000000, v10;
	vm5 =	veq.f32 v15, $0.0e+00;
	v3 =	vsel vm3, v3, v4  }
0x6a: {  	v5 =	vld [tilespmem:s23+$0xFFFFFFF0];
	vm6 =	veq.f32 v18, $0.0e+00;
	v4 =	vsel vm9, $0xFFFE7C00, v2;
	v11 =	vsub.f32 $1.000000000e+00, v3  }
0x6b: {  	v7 =	vld [tilespmem:s24+$0x0];
	v17 =	vsel vm3, $0xFFFE7C00, v2;
	v23 =	vsel vm1, $0xFFFE7C00, v2;
	v3 =	vxor.u32 $0x80000000, v6  }
0x6c: {  	v12 =	vld [tilespmem:s23+$0x0];
	v22 =	vsel vm2, $0xFFFE7C00, v2;
	v3 =	vsel vm1, v6, v3;
	v13 =	vshra.s32 v11, $0xD  }
0x6d: {  	v9 =	vld [tilespmem:s24+$0x10];
	v6 =	vxor.u32 $0x80000000, v8;
	v3 =	vsub.f32 $1.000000000e+00, v3;
	vm4 =	vgt.s32 v13, $0x1D400  }
0x6e: {  	v6 =	vsel vm2, v8, v6;
	v20 =	vmax.f32 v11, $0.0e+00;
	v13 =	vnsel vm4, $0x1D400, v13  }
0x6f: {  	v16 =	vld [tilespmem:s24+$0x20];
	v6 =	vsub.f32 $1.000000000e+00, v6;
	vm4 =	vgt.f32 v11, $0.0e+00;
	v13 =	vmin.u32 v13, $0x223FF  }
0x70: {  	vm0 =	vmor vm3, vm4;
	vm3 =	veq.f32 v5, $0.0e+00;
	v5 =	vxor.u32 $0x80000000, v7  }
0x71: {  	vm4 =	veq.f32 v12, $0.0e+00;
	vm15 =	vgt.f32 v6, $0.0e+00;
	v19 =	vadd.s32 v13, v17  }
0x72: {  	v8 =	vsel vm3, v10, v14;
	v5 =	vsel vm4, v7, v5;
	v7 =	vxor.u32 $0x80000000, v9  }
0x73: {  	v13 =	vld [tilespmem:s24+$0xFFFFFFC0];
	v10 =	vshra.s32 v3, $0xD;
	v14 =	vshra.s32 v6, $0xD;
	v8 =	vsub.f32 $1.000000000e+00, v8  }
0x74: {  	v5 =	vsub.f32 $1.000000000e+00, v5;
	v7 =	vsel vm5, v9, v7;
	v9 =	vxor.u32 $0x80000000, v16  }
0x75: {  	vm7 =	vgt.s32 v10, $0x1D400;
	v7 =	vsub.f32 $1.000000000e+00, v7;
	v9 =	vsel vm6, v16, v9  }
0x76: {  	vm8 =	vgt.s32 v14, $0x1D400;
	v10 =	vnsel vm7, $0x1D400, v10;
	v9 =	vsub.f32 $1.000000000e+00, v9  }
0x77: {  	v14 =	vnsel vm8, $0x1D400, v14;
	v15 =	vshra.s32 v7, $0xD;
	vm8 =	vgt.f32 v7, $0.0e+00  }
0x78: {  	v11 =	vxor.u32 $0x80000000, v13;
	v18 =	vshra.s32 v9, $0xD;
	vm13 =	vgt.s32 v15, $0x1D400  }
0x79: {  	vm7 =	vgt.f32 v9, $0.0e+00;
	[tilespmem:v19+s15+$0x0] =	vst.idx.add.f32.msk vm0, v1;
	v11 =	vsel vm9, v13, v11;
	v13 =	vshra.s32 v8, $0xD  }
0x7a: {  	vm14 =	vgt.s32 v18, $0x1D400;
	v21 =	vnsel vm13, $0x1D400, v15;
	[tilespmem:v19+s16+$0x0] =	vst.idx.add.f32.msk vm0, v20;
	v20 =	vsel vm4, $0xFFFE7C00, v2  }
0x7b: {  	v12 =	vsub.f32 $1.000000000e+00, v11;
	v11 =	vshra.s32 v5, $0xD;
	vm10 =	vgt.s32 v13, $0x1D400  }
0x7c: {  	v19 =	vsel vm5, $0xFFFE7C00, v2;
	vm11 =	vgt.s32 v11, $0x1D400;
	v13 =	vnsel vm10, $0x1D400, v13  }
0x7d: {  	vm10 =	vgt.f32 v8, $0.0e+00;
	v16 =	vshra.s32 v12, $0xD;
	v11 =	vnsel vm11, $0x1D400, v11  }
0x7e: {  	v15 =	vmin.u32 v13, $0x223FF;
	vm11 =	vgt.f32 v12, $0.0e+00;
	vm12 =	vgt.s32 v16, $0x1D400  }
0x7f: {  	v13 =	vmin.u32 v11, $0x223FF;
	v11 =	vmin.u32 v21, $0x223FF;
	v16 =	vnsel vm12, $0x1D400, v16  }
0x80: {  	v21 =	vsel vm3, $0xFFFE7C00, v2;
	vm12 =	vgt.f32 v3, $0.0e+00;
	v17 =	vmin.u32 v16, $0x223FF  }
0x81: {  	v16 =	vmin.u32 v10, $0x223FF;
	v10 =	vnsel vm14, $0x1D400, v18;
	v18 =	vmin.u32 v14, $0x223FF  }
0x82: {  	s25 =	simm.s32 $0x140;
	s24 =	simm.s32 $0x0;
	vm14 =	vgt.f32 v5, $0.0e+00;
	v14 =	vmin.u32 v10, $0x223FF;
	v10 =	vsel vm6, $0xFFFE7C00, v2  }
.LBB2_13:
0x83: {  	v24 =	vld [tilespmem:s25+$0x30]  }
0x84: {  	v10 =	vadd.s32 v14, v10;
	v14 =	vld [tilespmem:s25+$0xFFFFFFD0]  }
0x85: {  	v26 =	vmax.f32 v5, $0.0e+00;
	v5 =	vld [tilespmem:s25+$0xFFFFFFF0]  }
0x86: {  	v28 =	vld [tilespmem:s25+$0x10]  }
0x87: {  	v17 =	vadd.s32 v17, v4;
	s23 =	sadd.s32 $0x100, s23;
	v30 =	vld [tilespmem:s25+$0x20]  }
0x88: {  	v16 =	vadd.s32 v16, v23;
	v18 =	vadd.s32 v18, v22;
	v15 =	vadd.s32 v15, v21;
	v4 =	vld [tilespmem:s23+$0x30]  }
0x89: {  	v13 =	vadd.s32 v13, v20;
	vm0 =	vmor vm4, vm14;
	v20 =	vimm.s32 $0x0;
	v63 =	vld [tilespmem:s25+$0xFFFFFFC0]  }
0x8a: {  	v11 =	vadd.s32 v11, v19;
	vm13 =	vmor vm9, vm11;
	v19 =	vld [tilespmem:s23+$0xFFFFFFC0];
	v20 =	vsel vm0, $0xFFFFFFFF, v20  }
0x8b: {  	vm12 =	vmor vm1, vm12;
	vm11 =	vmor vm2, vm15;
	vm10 =	vmor vm3, vm10;
	[tilespmem:$0x1FFE0] =	vst v20;
	v20 =	vld [tilespmem:s23+$0xFFFFFFD0]  }
0x8c: {  	v21 =	vimm.s32 $0x0;
	v22 =	vmax.f32 v3, $0.0e+00;
	v23 =	vmax.f32 v6, $0.0e+00;
	v6 =	vld [tilespmem:s23+$0xFFFFFFE0]  }
0x8d: {  	v25 =	vmax.f32 v8, $0.0e+00;
	v8 =	vld [tilespmem:s23+$0xFFFFFFF0];
	v3 =	vxor.u32 $0x80000000, v24;
	vm3 =	veq.f32 v4, $0.0e+00  }
0x8e: {  	v27 =	vmax.f32 v9, $0.0e+00;
	vm0 =	vmor vm6, vm7;
	v9 =	vld [tilespmem:s23+$0x0];
	v3 =	vsel vm3, v24, v3  }
0x8f: {  	v29 =	vld [tilespmem:s23+$0x10];
	v21 =	vsel vm0, $0xFFFFFFFF, v21;
	vm1 =	veq.f32 v19, $0.0e+00;
	v24 =	vsub.f32 $1.000000000e+00, v3  }
0x90: {  	v32 =	vld [tilespmem:s23+$0x20];
	v19 =	vmax.f32 v7, $0.0e+00;
	v7 =	vxor.u32 $0x80000000, v14;
	vm7 =	veq.f32 v20, $0.0e+00  }
0x91: {  	vm8 =	vmor vm5, vm8;
	[tilespmem:$0x1FFF0] =	vst v21;
	v21 =	vld [tilespmem:s25+$0xFFFFFFE0];
	v3 =	vsel vm7, v14, v7;
	v14 =	vshra.s32 v24, $0xD  }
0x92: {  	[tilespmem:v17+s15+$0x0] =	vst.idx.add.f32.msk vm13, v1;
	vm4 =	vgt.s32 v14, $0x1D400  }
0x93: {  	v12 =	vmax.f32 v12, $0.0e+00;
	[tilespmem:v16+s15+$0x0] =	vst.idx.add.f32.msk vm12, v1;
	v14 =	vnsel vm4, $0x1D400, v14;
	vm4 =	vgt.f32 v24, $0.0e+00  }
0x94: {  	v20 =	vld [tilespmem:s25+$0x0];
	v31 =	vsel vm3, $0xFFFE7C00, v2;
	v14 =	vmin.u32 v14, $0x223FF;
	vm14 =	vmor vm3, vm4  }
0x95: {  	vm2 =	veq.f32 v6, $0.0e+00;
	v6 =	vxor.u32 $0x80000000, v5;
	[tilespmem:v18+s15+$0x0] =	vst.idx.add.f32.msk vm11, v1;
	v14 =	vadd.s32 v14, v31  }
0x96: {  	vm5 =	veq.f32 v29, $0.0e+00;
	[tilespmem:v15+s15+$0x0] =	vst.idx.add.f32.msk vm10, v1;
	v7 =	vxor.u32 $0x80000000, v21;
	v3 =	vsub.f32 $1.000000000e+00, v3  }
0x97: {  	vm6 =	veq.f32 v32, $0.0e+00;
	[tilespmem:v11+s15+$0x0] =	vst.idx.add.f32.msk vm8, v1;
	v4 =	vsel vm1, $0xFFFE7C00, v2;
	v7 =	vsel vm2, v21, v7  }
0x98: {  	[tilespmem:v17+s16+$0x0] =	vst.idx.add.f32.msk vm13, v12;
	v12 =	vmax.f32 v24, $0.0e+00;
	v17 =	vshra.s32 v3, $0xD;
	vm3 =	veq.f32 v8, $0.0e+00  }
0x99: {  	[tilespmem:v16+s16+$0x0] =	vst.idx.add.f32.msk vm12, v22;
	v8 =	vxor.u32 $0x80000000, v20;
	vm4 =	veq.f32 v9, $0.0e+00;
	v5 =	vsel vm3, v5, v6  }
0x9a: {  	v6 =	vsub.f32 $1.000000000e+00, v7;
	v7 =	vsel vm4, v20, v8;
	v20 =	vxor.u32 $0x80000000, v63;
	[tilespmem:v14+s15+$0x0] =	vst.idx.add.f32.msk vm14, v1  }
0x9b: {  	v9 =	vxor.u32 $0x80000000, v28;
	v8 =	vsub.f32 $1.000000000e+00, v5;
	[tilespmem:v14+s16+$0x0] =	vst.idx.add.f32.msk vm14, v12;
	v12 =	vsel vm1, v63, v20  }
0x9c: {  	[tilespmem:v18+s16+$0x0] =	vst.idx.add.f32.msk vm11, v23;
	v5 =	vsub.f32 $1.000000000e+00, v7;
	v7 =	vsel vm5, v28, v9;
	v12 =	vsub.f32 $1.000000000e+00, v12  }
0x9d: {  	[tilespmem:v11+s16+$0x0] =	vst.idx.add.f32.msk vm8, v19;
	vm12 =	vgt.s32 v17, $0x1D400;
	v9 =	vxor.u32 $0x80000000, v30;
	v7 =	vsub.f32 $1.000000000e+00, v7  }
0x9e: {  	v19 =	vld [tilespmem:$0x1FFF0];
	v21 =	vshra.s32 v6, $0xD;
	v9 =	vsel vm6, v30, v9;
	v18 =	vshra.s32 v12, $0xD  }
0x9f: {  	[tilespmem:v15+s16+$0x0] =	vst.idx.add.f32.msk vm10, v25;
	v9 =	vsub.f32 $1.000000000e+00, v9;
	v16 =	vshra.s32 v5, $0xD;
	vm15 =	vgt.s32 v18, $0x1D400  }
0xa0: {  	vm13 =	vgt.s32 v21, $0x1D400;
	v15 =	vnsel vm15, $0x1D400, v18;
	v18 =	vnsel vm12, $0x1D400, v17;
	v17 =	vld [tilespmem:$0x1FFE0]  }
0xa1: {  	v21 =	vnsel vm13, $0x1D400, v21;
	vm8 =	vgt.f32 v7, $0.0e+00;
	v20 =	vshra.s32 v7, $0xD  }
0xa2: {  	v22 =	vshra.s32 v9, $0xD;
	v14 =	vshra.s32 v8, $0xD;
	vm0 =	vgt.s32 v20, $0x1D400  }
0xa3: {  	vm14 =	vgt.s32 v16, $0x1D400;
	v20 =	vnsel vm0, $0x1D400, v20;
	vm0 =	vnez.u8 v19  }
0xa4: {  	vm9 =	vgt.s32 v22, $0x1D400;
	vm11 =	vgt.s32 v14, $0x1D400;
	v23 =	vnsel vm14, $0x1D400, v16  }
0xa5: {  	v22 =	vnsel vm9, $0x1D400, v22;
	vm9 =	vmmov vm1;
	vm10 =	vnez.u8 v17  }
0xa6: {  	s24 =	sadd.s32 $0x80, s24;
	vm1 =	vmmov vm7;
	vm14 =	vgt.f32 v5, $0.0e+00;
	vm7 =	vgt.f32 v9, $0.0e+00  }
0xa7: {  	p0 =	slt.u32 s24, $0x1F80;
	v14 =	vnsel vm11, $0x1D400, v14;
	v19 =	vsel vm5, $0xFFFE7C00, v2;
	vm11 =	vgt.f32 v12, $0.0e+00  }
.Ltmp7:
0xa8: {  	v11 =	vmin.u32 v20, $0x223FF;
	v20 =	vsel vm4, $0xFFFE7C00, v2;
	vm12 =	vgt.f32 v3, $0.0e+00;
	(pc) =	sbr.rel @p0 .LBB2_13-.Ltmp7, $4  }
0xa9: {  	vm15 =	vgt.f32 v6, $0.0e+00;
	v16 =	vmin.u32 v18, $0x223FF;
	v18 =	vmin.u32 v21, $0x223FF;
	[tilespmem:v10+s15+$0x0] =	vst.idx.add.f32.msk vm0, v1  }
0xaa: {  	v21 =	vsel vm3, $0xFFFE7C00, v2;
	[tilespmem:v10+s16+$0x0] =	vst.idx.add.f32.msk vm0, v27;
	v10 =	vsel vm6, $0xFFFE7C00, v2;
	v17 =	vmin.u32 v15, $0x223FF  }
0xab: {  	v15 =	vmin.u32 v14, $0x223FF;
	v14 =	vmin.u32 v22, $0x223FF;
	v22 =	vsel vm2, $0xFFFE7C00, v2;
	[tilespmem:v13+s15+$0x0] =	vst.idx.add.f32.msk vm10, v1  }
0xac: {  	s25 =	sadd.s32 $0x100, s25;
	[tilespmem:v13+s16+$0x0] =	vst.idx.add.f32.msk vm10, v26;
	v13 =	vmin.u32 v23, $0x223FF;
	vm10 =	vgt.f32 v8, $0.0e+00;
	v23 =	vsel vm1, $0xFFFE7C00, v2  }
0xad: {  	vm0 =	vmor vm9, vm11  }
0xae: {  	v4 =	vadd.s32 v17, v4;
	vm1 =	vmor vm1, vm12  }
0xaf: {  	v16 =	vadd.s32 v16, v23;
	vm2 =	vmor vm2, vm15  }
0xb0: {  	v60 =	vadd.s32 v18, v22;
	vm3 =	vmor vm3, vm10  }
0xb1: {  	v15 =	vadd.s32 v15, v21;
	vm13 =	vmor vm4, vm14  }
0xb2: {  	v61 =	vadd.s32 v13, v20;
	vm14 =	vmor vm5, vm8  }
0xb3: {  	v62 =	vadd.s32 v11, v19;
	vm15 =	vmor vm6, vm7;
	[tilespmem:v4+s15+$0x0] =	vst.idx.add.f32.msk vm0, v1  }
0xb4: {  	v63 =	vadd.s32 v14, v10;
	[tilespmem:v16+s15+$0x0] =	vst.idx.add.f32.msk vm1, v1  }
0xb5: {  	[tilespmem:v60+s15+$0x0] =	vst.idx.add.f32.msk vm2, v1  }
0xb6: {  	[tilespmem:v15+s15+$0x0] =	vst.idx.add.f32.msk vm3, v1  }
0xb7: {  	[tilespmem:v61+s15+$0x0] =	vst.idx.add.f32.msk vm13, v1  }
0xb8: {  	[tilespmem:v62+s15+$0x0] =	vst.idx.add.f32.msk vm14, v1  }
0xb9: {  	v12 =	vmax.f32 v12, $0.0e+00;
	[tilespmem:v63+s15+$0x0] =	vst.idx.add.f32.msk vm15, v1  }
0xba: {  	v3 =	vmax.f32 v3, $0.0e+00;
	[tilespmem:v4+s16+$0x0] =	vst.idx.add.f32.msk vm0, v12  }
0xbb: {  	p0 =	seq.s32 s22, $0x7;
	[tilespmem:v16+s16+$0x0] =	vst.idx.add.f32.msk vm1, v3;
	v3 =	vmax.f32 v6, $0.0e+00  }
.Ltmp8:
0xbc: {  	[tilespmem:v60+s16+$0x0] =	vst.idx.add.f32.msk vm2, v3;
	v3 =	vmax.f32 v8, $0.0e+00;
	(pc) =	sbr.rel @p0 .LBB2_20-.Ltmp8, $4  }
0xbd: {  	[tilespmem:v15+s16+$0x0] =	vst.idx.add.f32.msk vm3, v3;
	v3 =	vmax.f32 v5, $0.0e+00  }
0xbe: {  	[tilespmem:v61+s16+$0x0] =	vst.idx.add.f32.msk vm13, v3;
	v3 =	vmax.f32 v7, $0.0e+00  }
0xbf: {  	[tilespmem:v62+s16+$0x0] =	vst.idx.add.f32.msk vm14, v3;
	v3 =	vmax.f32 v9, $0.0e+00  }
0xc0: {  	s23 =	sshll.u32 s22, $0xE;
	[tilespmem:v63+s16+$0x0] =	vst.idx.add.f32.msk vm15, v3  }
0xc1: {  	s24 =	sadd.s32 s23, s8  }
0xc2: {  	s24 =	sshrl.u32 s24, $0x3  }
0xc3: {  	s26 =	simm.s32 $0x0;
	s25 =	sadd.s32 s3, s24  }
0xc4: {  	s28 =	simm.s32 $0x10;
	s29 =	simm.s32 $0x100;
	s30 =	sadd.s32 $0x0, s25  }
.LBB2_16:
0xc5: {  	[tilespmem:s26], [sflag:$0x1] =	stream.linear.gather [hbm4b:s30+s2], $0x80, $0x38;
	[tilespmem:$0x1C000] =	vst v63  }
0xc6: {  	s30 =	smov.u32 s28;
	s26 =	smov.u32 s29;
	p1 =	sne.s32 s28, $0x3F0  }
.Ltmp9:
0xc7: {  	s28 =	sadd.s32 $0x10, s28;
	(pc) =	sbr.rel @p1 .LBB2_16-.Ltmp9, $2  }
0xc8: {  	_ =	sdelay $0x2  }
0xc9: {  	s29 =	sadd.s32 $0x100, s29;
	s30 =	sadd.s32 s30, s25  }
0xca: {  	[tilespmem:s26], [sflag:$0x1] =	stream.linear.gather [hbm4b:s30+s2], $0x80, $0x38;
	[tilespmem:$0x1C000] =	vst v63  }
0xcb: {  	s24 =	sadd.s32 s4, s24;
	s25 =	simm.s32 $0x4000  }
0xcc: {  	s26 =	simm.s32 $0x10;
	s28 =	simm.s32 $0x4100;
	s29 =	sadd.s32 $0x0, s24  }
.LBB2_18:
0xcd: {  	[tilespmem:s25], [sflag:$0x1] =	stream.linear.gather [hbm4b:s29+s2], $0x80, $0x38;
	[tilespmem:$0x1C000] =	vst v63  }
0xce: {  	s29 =	smov.u32 s26;
	s25 =	smov.u32 s28;
	p1 =	sne.s32 s26, $0x3F0  }
.Ltmp10:
0xcf: {  	s26 =	sadd.s32 $0x10, s26;
	(pc) =	sbr.rel @p1 .LBB2_18-.Ltmp10, $2  }
0xd0: {  	_ =	sdelay $0x2  }
0xd1: {  	s28 =	sadd.s32 $0x100, s28;
	s29 =	sadd.s32 s29, s24  }
0xd2: {  	[tilespmem:s25], [sflag:$0x1] =	stream.linear.gather [hbm4b:s29+s2], $0x80, $0x38;
	[tilespmem:$0x1C000] =	vst v63  }
.LBB2_20:
0xd3: {  	_ =	swait.ge [sflag:s17], $0x2000  }
0xd4: {  	[sflag:s17] =	ssyncset.done $0x0  }
0xd5: {  	[sflag:s17] =	ssyncadd.s32 $0xFFFFE000  }
0xd6: {  	_ =	swait.ge [sflag:s17], $0x2000  }
0xd7: {  	[sflag:s17] =	ssyncset.done $0x0  }
0xd8: {  	s25 =	simm.s32 $0xF0;
	[sflag:s17] =	ssyncadd.s32 $0xFFFFE000  }
0xd9: {  	s24 =	simm.s32 $0x40F0;
	v3 =	vld [tilespmem:s25+$0x0]  }
0xda: {  	v4 =	vld [tilespmem:s24+$0x0]  }
0xdb: {  	v5 =	vld [tilespmem:s24+$0xFFFFFF90]  }
0xdc: {  	v7 =	vld [tilespmem:s24+$0xFFFFFFA0]  }
0xdd: {  	v9 =	vld [tilespmem:s24+$0xFFFFFFB0]  }
0xde: {  	v10 =	vld [tilespmem:s25+$0xFFFFFFC0]  }
0xdf: {  	v15 =	vld [tilespmem:s24+$0xFFFFFFE0]  }
0xe0: {  	v18 =	vld [tilespmem:s24+$0xFFFFFFF0]  }
0xe1: {  	v6 =	vld [tilespmem:s25+$0xFFFFFFA0]  }
0xe2: {  	vm3 =	veq.f32 v4, $0.0e+00;
	v4 =	vxor.u32 $0x80000000, v3  }
0xe3: {  	v8 =	vld [tilespmem:s25+$0xFFFFFFB0];
	vm9 =	veq.f32 v5, $0.0e+00;
	vm1 =	veq.f32 v7, $0.0e+00;
	vm2 =	veq.f32 v9, $0.0e+00  }
0xe4: {  	v14 =	vxor.u32 $0x80000000, v10;
	vm5 =	veq.f32 v15, $0.0e+00;
	v3 =	vsel vm3, v3, v4  }
0xe5: {  	v5 =	vld [tilespmem:s24+$0xFFFFFFC0];
	vm6 =	veq.f32 v18, $0.0e+00;
	v4 =	vsel vm9, $0xFFFE7C00, v2;
	v11 =	vsub.f32 $1.000000000e+00, v3  }
0xe6: {  	v7 =	vld [tilespmem:s25+$0xFFFFFFD0];
	v17 =	vsel vm3, $0xFFFE7C00, v2;
	v23 =	vsel vm1, $0xFFFE7C00, v2;
	v3 =	vxor.u32 $0x80000000, v6  }
0xe7: {  	v12 =	vld [tilespmem:s24+$0xFFFFFFD0];
	v22 =	vsel vm2, $0xFFFE7C00, v2;
	v3 =	vsel vm1, v6, v3;
	v13 =	vshra.s32 v11, $0xD  }
0xe8: {  	v9 =	vld [tilespmem:s25+$0xFFFFFFE0];
	v6 =	vxor.u32 $0x80000000, v8;
	v3 =	vsub.f32 $1.000000000e+00, v3;
	vm4 =	vgt.s32 v13, $0x1D400  }
0xe9: {  	v6 =	vsel vm2, v8, v6;
	v20 =	vmax.f32 v11, $0.0e+00;
	v13 =	vnsel vm4, $0x1D400, v13  }
0xea: {  	v16 =	vld [tilespmem:s25+$0xFFFFFFF0];
	v6 =	vsub.f32 $1.000000000e+00, v6;
	vm4 =	vgt.f32 v11, $0.0e+00;
	v13 =	vmin.u32 v13, $0x223FF  }
0xeb: {  	vm0 =	vmor vm3, vm4;
	vm3 =	veq.f32 v5, $0.0e+00;
	v5 =	vxor.u32 $0x80000000, v7  }
0xec: {  	vm4 =	veq.f32 v12, $0.0e+00;
	vm15 =	vgt.f32 v6, $0.0e+00;
	v19 =	vadd.s32 v13, v17  }
0xed: {  	v8 =	vsel vm3, v10, v14;
	v5 =	vsel vm4, v7, v5;
	v7 =	vxor.u32 $0x80000000, v9  }
0xee: {  	v13 =	vld [tilespmem:s25+$0xFFFFFF90];
	v10 =	vshra.s32 v3, $0xD;
	v14 =	vshra.s32 v6, $0xD;
	v8 =	vsub.f32 $1.000000000e+00, v8  }
0xef: {  	v5 =	vsub.f32 $1.000000000e+00, v5;
	v7 =	vsel vm5, v9, v7;
	v9 =	vxor.u32 $0x80000000, v16  }
0xf0: {  	vm7 =	vgt.s32 v10, $0x1D400;
	v7 =	vsub.f32 $1.000000000e+00, v7;
	v9 =	vsel vm6, v16, v9  }
0xf1: {  	vm8 =	vgt.s32 v14, $0x1D400;
	v10 =	vnsel vm7, $0x1D400, v10;
	v9 =	vsub.f32 $1.000000000e+00, v9  }
0xf2: {  	v14 =	vnsel vm8, $0x1D400, v14;
	v15 =	vshra.s32 v7, $0xD;
	vm8 =	vgt.f32 v7, $0.0e+00  }
0xf3: {  	v11 =	vxor.u32 $0x80000000, v13;
	v18 =	vshra.s32 v9, $0xD;
	vm13 =	vgt.s32 v15, $0x1D400  }
0xf4: {  	vm7 =	vgt.f32 v9, $0.0e+00;
	[tilespmem:v19+s15+$0x0] =	vst.idx.add.f32.msk vm0, v1;
	v11 =	vsel vm9, v13, v11;
	v13 =	vshra.s32 v8, $0xD  }
0xf5: {  	vm14 =	vgt.s32 v18, $0x1D400;
	v21 =	vnsel vm13, $0x1D400, v15;
	[tilespmem:v19+s16+$0x0] =	vst.idx.add.f32.msk vm0, v20;
	v20 =	vsel vm4, $0xFFFE7C00, v2  }
0xf6: {  	v12 =	vsub.f32 $1.000000000e+00, v11;
	v11 =	vshra.s32 v5, $0xD;
	vm10 =	vgt.s32 v13, $0x1D400  }
0xf7: {  	v19 =	vsel vm5, $0xFFFE7C00, v2;
	vm11 =	vgt.s32 v11, $0x1D400;
	v13 =	vnsel vm10, $0x1D400, v13  }
0xf8: {  	vm10 =	vgt.f32 v8, $0.0e+00;
	v16 =	vshra.s32 v12, $0xD;
	v11 =	vnsel vm11, $0x1D400, v11  }
0xf9: {  	v15 =	vmin.u32 v13, $0x223FF;
	vm11 =	vgt.f32 v12, $0.0e+00;
	vm12 =	vgt.s32 v16, $0x1D400  }
0xfa: {  	v13 =	vmin.u32 v11, $0x223FF;
	v11 =	vmin.u32 v21, $0x223FF;
	v16 =	vnsel vm12, $0x1D400, v16  }
0xfb: {  	v21 =	vsel vm3, $0xFFFE7C00, v2;
	vm12 =	vgt.f32 v3, $0.0e+00;
	v17 =	vmin.u32 v16, $0x223FF  }
0xfc: {  	v16 =	vmin.u32 v10, $0x223FF;
	v10 =	vnsel vm14, $0x1D400, v18;
	v18 =	vmin.u32 v14, $0x223FF  }
0xfd: {  	s26 =	simm.s32 $0x1F0;
	s25 =	simm.s32 $0x0;
	vm14 =	vgt.f32 v5, $0.0e+00;
	v14 =	vmin.u32 v10, $0x223FF;
	v10 =	vsel vm6, $0xFFFE7C00, v2  }
.LBB2_21:
0xfe: {  	v24 =	vld [tilespmem:s26+$0x0]  }
0xff: {  	v10 =	vadd.s32 v14, v10;
	v14 =	vld [tilespmem:s26+$0xFFFFFFA0]  }
0x100: {  	v26 =	vmax.f32 v5, $0.0e+00;
	v5 =	vld [tilespmem:s26+$0xFFFFFFC0]  }
0x101: {  	v28 =	vld [tilespmem:s26+$0xFFFFFFE0]  }
0x102: {  	v17 =	vadd.s32 v17, v4;
	s24 =	sadd.s32 $0x100, s24;
	v30 =	vld [tilespmem:s26+$0xFFFFFFF0]  }
0x103: {  	v16 =	vadd.s32 v16, v23;
	v18 =	vadd.s32 v18, v22;
	v15 =	vadd.s32 v15, v21;
	v4 =	vld [tilespmem:s24+$0x0]  }
0x104: {  	v13 =	vadd.s32 v13, v20;
	vm0 =	vmor vm4, vm14;
	v20 =	vimm.s32 $0x0;
	v63 =	vld [tilespmem:s26+$0xFFFFFF90]  }
0x105: {  	v11 =	vadd.s32 v11, v19;
	vm13 =	vmor vm9, vm11;
	v19 =	vld [tilespmem:s24+$0xFFFFFF90];
	v20 =	vsel vm0, $0xFFFFFFFF, v20  }
0x106: {  	vm12 =	vmor vm1, vm12;
	vm11 =	vmor vm2, vm15;
	vm10 =	vmor vm3, vm10;
	[tilespmem:$0x1FFC0] =	vst v20;
	v20 =	vld [tilespmem:s24+$0xFFFFFFA0]  }
0x107: {  	v21 =	vimm.s32 $0x0;
	v22 =	vmax.f32 v3, $0.0e+00;
	v23 =	vmax.f32 v6, $0.0e+00;
	v6 =	vld [tilespmem:s24+$0xFFFFFFB0]  }
0x108: {  	v25 =	vmax.f32 v8, $0.0e+00;
	v8 =	vld [tilespmem:s24+$0xFFFFFFC0];
	v3 =	vxor.u32 $0x80000000, v24;
	vm3 =	veq.f32 v4, $0.0e+00  }
0x109: {  	v27 =	vmax.f32 v9, $0.0e+00;
	vm0 =	vmor vm6, vm7;
	v9 =	vld [tilespmem:s24+$0xFFFFFFD0];
	v3 =	vsel vm3, v24, v3  }
0x10a: {  	v29 =	vld [tilespmem:s24+$0xFFFFFFE0];
	v21 =	vsel vm0, $0xFFFFFFFF, v21;
	vm1 =	veq.f32 v19, $0.0e+00;
	v24 =	vsub.f32 $1.000000000e+00, v3  }
0x10b: {  	v32 =	vld [tilespmem:s24+$0xFFFFFFF0];
	v19 =	vmax.f32 v7, $0.0e+00;
	v7 =	vxor.u32 $0x80000000, v14;
	vm7 =	veq.f32 v20, $0.0e+00  }
0x10c: {  	vm8 =	vmor vm5, vm8;
	[tilespmem:$0x1FFD0] =	vst v21;
	v21 =	vld [tilespmem:s26+$0xFFFFFFB0];
	v3 =	vsel vm7, v14, v7;
	v14 =	vshra.s32 v24, $0xD  }
0x10d: {  	[tilespmem:v17+s15+$0x0] =	vst.idx.add.f32.msk vm13, v1;
	vm4 =	vgt.s32 v14, $0x1D400  }
0x10e: {  	v12 =	vmax.f32 v12, $0.0e+00;
	[tilespmem:v16+s15+$0x0] =	vst.idx.add.f32.msk vm12, v1;
	v14 =	vnsel vm4, $0x1D400, v14;
	vm4 =	vgt.f32 v24, $0.0e+00  }
0x10f: {  	v20 =	vld [tilespmem:s26+$0xFFFFFFD0];
	v31 =	vsel vm3, $0xFFFE7C00, v2;
	v14 =	vmin.u32 v14, $0x223FF;
	vm14 =	vmor vm3, vm4  }
0x110: {  	vm2 =	veq.f32 v6, $0.0e+00;
	v6 =	vxor.u32 $0x80000000, v5;
	[tilespmem:v18+s15+$0x0] =	vst.idx.add.f32.msk vm11, v1;
	v14 =	vadd.s32 v14, v31  }
0x111: {  	vm5 =	veq.f32 v29, $0.0e+00;
	[tilespmem:v15+s15+$0x0] =	vst.idx.add.f32.msk vm10, v1;
	v7 =	vxor.u32 $0x80000000, v21;
	v3 =	vsub.f32 $1.000000000e+00, v3  }
0x112: {  	vm6 =	veq.f32 v32, $0.0e+00;
	[tilespmem:v11+s15+$0x0] =	vst.idx.add.f32.msk vm8, v1;
	v4 =	vsel vm1, $0xFFFE7C00, v2;
	v7 =	vsel vm2, v21, v7  }
0x113: {  	[tilespmem:v17+s16+$0x0] =	vst.idx.add.f32.msk vm13, v12;
	v12 =	vmax.f32 v24, $0.0e+00;
	v17 =	vshra.s32 v3, $0xD;
	vm3 =	veq.f32 v8, $0.0e+00  }
0x114: {  	[tilespmem:v16+s16+$0x0] =	vst.idx.add.f32.msk vm12, v22;
	v8 =	vxor.u32 $0x80000000, v20;
	vm4 =	veq.f32 v9, $0.0e+00;
	v5 =	vsel vm3, v5, v6  }
0x115: {  	v6 =	vsub.f32 $1.000000000e+00, v7;
	v7 =	vsel vm4, v20, v8;
	v20 =	vxor.u32 $0x80000000, v63;
	[tilespmem:v14+s15+$0x0] =	vst.idx.add.f32.msk vm14, v1  }
0x116: {  	v9 =	vxor.u32 $0x80000000, v28;
	v8 =	vsub.f32 $1.000000000e+00, v5;
	[tilespmem:v14+s16+$0x0] =	vst.idx.add.f32.msk vm14, v12;
	v12 =	vsel vm1, v63, v20  }
0x117: {  	[tilespmem:v18+s16+$0x0] =	vst.idx.add.f32.msk vm11, v23;
	v5 =	vsub.f32 $1.000000000e+00, v7;
	v7 =	vsel vm5, v28, v9;
	v12 =	vsub.f32 $1.000000000e+00, v12  }
0x118: {  	[tilespmem:v11+s16+$0x0] =	vst.idx.add.f32.msk vm8, v19;
	vm12 =	vgt.s32 v17, $0x1D400;
	v9 =	vxor.u32 $0x80000000, v30;
	v7 =	vsub.f32 $1.000000000e+00, v7  }
0x119: {  	v19 =	vld [tilespmem:$0x1FFD0];
	v21 =	vshra.s32 v6, $0xD;
	v9 =	vsel vm6, v30, v9;
	v18 =	vshra.s32 v12, $0xD  }
0x11a: {  	[tilespmem:v15+s16+$0x0] =	vst.idx.add.f32.msk vm10, v25;
	v9 =	vsub.f32 $1.000000000e+00, v9;
	v16 =	vshra.s32 v5, $0xD;
	vm15 =	vgt.s32 v18, $0x1D400  }
0x11b: {  	vm13 =	vgt.s32 v21, $0x1D400;
	v15 =	vnsel vm15, $0x1D400, v18;
	v18 =	vnsel vm12, $0x1D400, v17;
	v17 =	vld [tilespmem:$0x1FFC0]  }
0x11c: {  	v21 =	vnsel vm13, $0x1D400, v21;
	vm8 =	vgt.f32 v7, $0.0e+00;
	v20 =	vshra.s32 v7, $0xD  }
0x11d: {  	v22 =	vshra.s32 v9, $0xD;
	v14 =	vshra.s32 v8, $0xD;
	vm0 =	vgt.s32 v20, $0x1D400  }
0x11e: {  	vm14 =	vgt.s32 v16, $0x1D400;
	v20 =	vnsel vm0, $0x1D400, v20;
	vm0 =	vnez.u8 v19  }
0x11f: {  	vm9 =	vgt.s32 v22, $0x1D400;
	vm11 =	vgt.s32 v14, $0x1D400;
	v23 =	vnsel vm14, $0x1D400, v16  }
0x120: {  	v22 =	vnsel vm9, $0x1D400, v22;
	vm9 =	vmmov vm1;
	vm10 =	vnez.u8 v17  }
0x121: {  	s25 =	sadd.s32 $0x80, s25;
	vm1 =	vmmov vm7;
	vm14 =	vgt.f32 v5, $0.0e+00;
	vm7 =	vgt.f32 v9, $0.0e+00  }
0x122: {  	p1 =	slt.u32 s25, $0x1F80;
	v14 =	vnsel vm11, $0x1D400, v14;
	v19 =	vsel vm5, $0xFFFE7C00, v2;
	vm11 =	vgt.f32 v12, $0.0e+00  }
.Ltmp11:
0x123: {  	v11 =	vmin.u32 v20, $0x223FF;
	v20 =	vsel vm4, $0xFFFE7C00, v2;
	vm12 =	vgt.f32 v3, $0.0e+00;
	(pc) =	sbr.rel @p1 .LBB2_21-.Ltmp11, $4  }
0x124: {  	vm15 =	vgt.f32 v6, $0.0e+00;
	v16 =	vmin.u32 v18, $0x223FF;
	v18 =	vmin.u32 v21, $0x223FF;
	[tilespmem:v10+s15+$0x0] =	vst.idx.add.f32.msk vm0, v1  }
0x125: {  	v21 =	vsel vm3, $0xFFFE7C00, v2;
	[tilespmem:v10+s16+$0x0] =	vst.idx.add.f32.msk vm0, v27;
	v10 =	vsel vm6, $0xFFFE7C00, v2;
	v17 =	vmin.u32 v15, $0x223FF  }
0x126: {  	v15 =	vmin.u32 v14, $0x223FF;
	v14 =	vmin.u32 v22, $0x223FF;
	v22 =	vsel vm2, $0xFFFE7C00, v2;
	[tilespmem:v13+s15+$0x0] =	vst.idx.add.f32.msk vm10, v1  }
0x127: {  	s26 =	sadd.s32 $0x100, s26;
	[tilespmem:v13+s16+$0x0] =	vst.idx.add.f32.msk vm10, v26;
	v13 =	vmin.u32 v23, $0x223FF;
	vm10 =	vgt.f32 v8, $0.0e+00;
	v23 =	vsel vm1, $0xFFFE7C00, v2  }
0x128: {  	vm0 =	vmor vm9, vm11  }
0x129: {  	v4 =	vadd.s32 v17, v4;
	vm1 =	vmor vm1, vm12  }
0x12a: {  	v16 =	vadd.s32 v16, v23;
	vm2 =	vmor vm2, vm15  }
0x12b: {  	v60 =	vadd.s32 v18, v22;
	vm3 =	vmor vm3, vm10  }
0x12c: {  	v15 =	vadd.s32 v15, v21;
	vm13 =	vmor vm4, vm14  }
0x12d: {  	v61 =	vadd.s32 v13, v20;
	vm14 =	vmor vm5, vm8  }
0x12e: {  	v62 =	vadd.s32 v11, v19;
	vm15 =	vmor vm6, vm7;
	[tilespmem:v4+s15+$0x0] =	vst.idx.add.f32.msk vm0, v1  }
0x12f: {  	v63 =	vadd.s32 v14, v10;
	[tilespmem:v16+s15+$0x0] =	vst.idx.add.f32.msk vm1, v1  }
0x130: {  	[tilespmem:v60+s15+$0x0] =	vst.idx.add.f32.msk vm2, v1  }
0x131: {  	[tilespmem:v15+s15+$0x0] =	vst.idx.add.f32.msk vm3, v1  }
0x132: {  	[tilespmem:v61+s15+$0x0] =	vst.idx.add.f32.msk vm13, v1  }
0x133: {  	[tilespmem:v62+s15+$0x0] =	vst.idx.add.f32.msk vm14, v1  }
0x134: {  	v12 =	vmax.f32 v12, $0.0e+00;
	[tilespmem:v63+s15+$0x0] =	vst.idx.add.f32.msk vm15, v1  }
0x135: {  	v3 =	vmax.f32 v3, $0.0e+00;
	[tilespmem:v4+s16+$0x0] =	vst.idx.add.f32.msk vm0, v12  }
0x136: {  	[tilespmem:v16+s16+$0x0] =	vst.idx.add.f32.msk vm1, v3;
	v3 =	vmax.f32 v6, $0.0e+00  }
.Ltmp12:
0x137: {  	[tilespmem:v60+s16+$0x0] =	vst.idx.add.f32.msk vm2, v3;
	v3 =	vmax.f32 v8, $0.0e+00;
	(pc) =	sbr.rel @p0 .LBB2_28-.Ltmp12, $4  }
0x138: {  	[tilespmem:v15+s16+$0x0] =	vst.idx.add.f32.msk vm3, v3;
	v3 =	vmax.f32 v5, $0.0e+00  }
0x139: {  	[tilespmem:v61+s16+$0x0] =	vst.idx.add.f32.msk vm13, v3;
	v3 =	vmax.f32 v7, $0.0e+00  }
0x13a: {  	[tilespmem:v62+s16+$0x0] =	vst.idx.add.f32.msk vm14, v3;
	v3 =	vmax.f32 v9, $0.0e+00  }
0x13b: {  	[tilespmem:v63+s16+$0x0] =	vst.idx.add.f32.msk vm15, v3  }
0x13c: {  	s23 =	sadd.s32 s23, s9  }
0x13d: {  	s23 =	sshrl.u32 s23, $0x3  }
0x13e: {  	s25 =	simm.s32 $0x80;
	s24 =	sadd.s32 s3, s23  }
0x13f: {  	s26 =	simm.s32 $0x10;
	s28 =	simm.s32 $0x180;
	s29 =	sadd.s32 $0x0, s24  }
.LBB2_24:
0x140: {  	[tilespmem:s25], [sflag:$0x2] =	stream.linear.gather [hbm4b:s29+s2], $0x80, $0x38;
	[tilespmem:$0x1C000] =	vst v63  }
0x141: {  	s29 =	smov.u32 s26;
	s25 =	smov.u32 s28;
	p0 =	sne.s32 s26, $0x3F0  }
.Ltmp13:
0x142: {  	s26 =	sadd.s32 $0x10, s26;
	(pc) =	sbr.rel @p0 .LBB2_24-.Ltmp13, $2  }
0x143: {  	_ =	sdelay $0x2  }
0x144: {  	s28 =	sadd.s32 $0x100, s28;
	s29 =	sadd.s32 s29, s24  }
0x145: {  	[tilespmem:s25], [sflag:$0x2] =	stream.linear.gather [hbm4b:s29+s2], $0x80, $0x38;
	[tilespmem:$0x1C000] =	vst v63  }
0x146: {  	s23 =	sadd.s32 s4, s23;
	s24 =	simm.s32 $0x4080  }
0x147: {  	s25 =	simm.s32 $0x10;
	s26 =	simm.s32 $0x4180;
	s28 =	sadd.s32 $0x0, s23  }
.LBB2_26:
0x148: {  	[tilespmem:s24], [sflag:$0x2] =	stream.linear.gather [hbm4b:s28+s2], $0x80, $0x38;
	[tilespmem:$0x1C000] =	vst v63  }
0x149: {  	s28 =	smov.u32 s25;
	s24 =	smov.u32 s26;
	p0 =	sne.s32 s25, $0x3F0  }
.Ltmp14:
0x14a: {  	s25 =	sadd.s32 $0x10, s25;
	(pc) =	sbr.rel @p0 .LBB2_26-.Ltmp14, $2  }
0x14b: {  	_ =	sdelay $0x2  }
0x14c: {  	s26 =	sadd.s32 $0x100, s26;
	s28 =	sadd.s32 s28, s23  }
.Ltmp15:
0x14d: {  	(pc) =	sbr.rel .LBB2_12-.Ltmp15, $3  }
0x14e: {  	_ =	sdelay $0x1  }
0x14f: {  	[tilespmem:s24], [sflag:$0x2] =	stream.linear.gather [hbm4b:s28+s2], $0x80, $0x38;
	[tilespmem:$0x1C000] =	vst v63  }
0x150: {  	s22 =	sadd.s32 $0x1, s22  }
.LBB2_29:
0x151: {  	_ =	sfence.sel $0x180000  }
0x152: {  	[bflag:$0x0] =	sbarrier.arrive $0xFFFF  }
0x153: {  	p0 =	sne.s32 s0, $0x0;
	_ =	strace $0x90000047  }
0x154: {  	s0 =	sadd.s32 @!p0 $0x100000, s1;
	[bflag:$0x2] =	sbarrier.arrive $0xFFFF  }
0x155: {  	[sflag:s0] =	ssyncadd.tile.s32 @!p0 $0x1;
	_ =	shalt  }
.Lfunc_end2:
_tile_overlayer_lowered:
.L_overlay_start_2:
0x156: {  	(tag) =	ssettag $0x2  }
0x157: {  	s0 =	rddreg [dreg:$0x0];
	s2 =	stileid.u32  }
0x158: {  	s1 =	rddreg [dreg:$0x1];
	p0 =	sne.s32 s2, $0x0  }
0x159: {  	s3 =	rddreg [dreg:$0x2];
	[bflag:$0x3] =	sbarrier.arrive $0xFFFF;
	s2 =	simm.s32 @!p0 $0x1C03  }
0x15a: {  	[timem:s3], [sflag:s2] =	dma.local @!p0 [hbm:s0], s1  }
0x15b: {  	s0 =	simm.s32 @!p0 $0x3  }
0x15c: {  	_ =	swait.ge @!p0 [sflag:s0], s1  }
0x15d: {  	s1 =	ssub.s32 @!p0 $0x0, s1;
	[sflag:s0] =	ssyncset.done @!p0 $0x0  }
0x15e: {  	[sflag:s0] =	ssyncadd.s32 @!p0 s1  }
0x15f: {  	[bflag:$0x3] =	sbarrier.arrive $0xFFFF  }
0x160: {  	_ =	shalt  }

</sc_bundles>
